<compile_context>
chip_gen: v7x
topology: tpu7x:2x2x1
jax: 0.10.2.dev20260603
libtpu: 0.0.44.dev20260713+nightly
codegen_flags: <defaults>
</compile_context>

<pallas_src>
import functools

import jax
import jax.numpy as jnp
from jax import lax
from jax.experimental import pallas as pl
from jax.experimental.pallas import tpu as pltpu
from jax.experimental.pallas import tpu_sc as plsc

N_NODES = 10000
N_EDGES = 320000
D_FEAT = 128
NUM_ITERS = 40

NC = 2
NS = 16
LANES = 16

NP = 10240
HALF = 64
CK = 128
CH = 160
NSETS = 5
LOOK = 3
EPT = CH * CK
ROWS_PT = NP // NS
NODE_CHUNKS = ROWS_PT // CK
GROUPS = HALF // LANES


def _fp_body(colx, rowx, dxm, cfx, xm, fcf, out_hbm, y_hbm,
             idxc_v, idxr_v, r0, r1, r2, r3, r4, zero_v,
             acc_sh, semg, sems):
    c = lax.axis_index("c")
    s = lax.axis_index("s")
    rows = (r0, r1, r2, r3, r4)
    acc_v, scale_v, bias_v = r0, r1, r2

    pltpu.sync_copy(colx.at[c, s], idxc_v)
    pltpu.sync_copy(rowx.at[s], idxr_v)

    def zrow(i, _):
        for g in range(GROUPS):
            zero_v[i, pl.ds(g * LANES, LANES)] = jnp.zeros((LANES,), jnp.float32)
        return 0
    lax.fori_loop(0, CK, zrow, 0)

    def init_chunk(k, _):
        base_h = s * ROWS_PT + k * CK
        base_g = c * NP + base_h
        pltpu.sync_copy(zero_v, acc_sh.at[pl.ds(base_h, CK)])
        pltpu.sync_copy(dxm.at[pl.ds(base_g, CK)], acc_v)
        pltpu.sync_copy(acc_v, y_hbm.at[pl.ds(base_g, CK)])
        return 0
    lax.fori_loop(0, NODE_CHUNKS, init_chunk, 0)
    plsc.subcore_barrier()

    def fire_g(j, b):
        pltpu.async_copy(y_hbm.at[idxc_v.at[j]], rows[b], semg)

    def wait_g(b):
        pltpu.make_async_copy(y_hbm.at[idxc_v.at[0]], rows[b], semg).wait()

    def fire_s(j, b):
        pltpu.async_copy(rows[b], acc_sh.at[idxr_v.at[j]], sems, add=True)

    def wait_s(b):
        pltpu.make_async_copy(rows[b], acc_sh.at[idxr_v.at[0]], sems).wait()

    def iteration(t, _):
        for b in range(LOOK):
            fire_g(b, b)

        def edge_group(j0, _):
            for b in range(NSETS):
                j = j0 * NSETS + b
                wait_g(b)
                fire_s(j, b)
                bn = (b + LOOK) % NSETS

                @pl.when(j >= NSETS - LOOK)
                def _drain():
                    wait_s(bn)

                @pl.when(j + LOOK < CH)
                def _ahead():
                    fire_g(j + LOOK, bn)
            return 0
        lax.fori_loop(0, CH // NSETS, edge_group, 0)
        for b in range(LOOK, NSETS):
            wait_s(b)
        plsc.subcore_barrier()

        def node_chunk(k, _):
            base_h = s * ROWS_PT + k * CK
            base_g = c * NP + base_h
            pltpu.sync_copy(acc_sh.at[pl.ds(base_h, CK)], acc_v)

            @pl.when(t < NUM_ITERS - 1)
            def _load_mid():
                pltpu.sync_copy(cfx.at[pl.ds(base_g, CK)], scale_v)
                pltpu.sync_copy(dxm.at[pl.ds(base_g, CK)], bias_v)

            @pl.when(t == NUM_ITERS - 1)
            def _load_final():
                pltpu.sync_copy(fcf.at[pl.ds(base_g, CK)], scale_v)
                pltpu.sync_copy(xm.at[pl.ds(base_g, CK)], bias_v)

            def crow(i, _):
                for g in range(GROUPS):
                    sl = pl.ds(g * LANES, LANES)
                    acc_v[i, sl] = acc_v[i, sl] * scale_v[i, sl] + bias_v[i, sl]
                return 0
            lax.fori_loop(0, CK, crow, 0)

            @pl.when(t < NUM_ITERS - 1)
            def _store_mid():
                pltpu.sync_copy(acc_v, y_hbm.at[pl.ds(base_g, CK)])

            @pl.when(t == NUM_ITERS - 1)
            def _store_final():
                pltpu.sync_copy(acc_v, out_hbm.at[pl.ds(base_g, CK)])

            pltpu.sync_copy(zero_v, acc_sh.at[pl.ds(base_h, CK)])
            return 0
        lax.fori_loop(0, NODE_CHUNKS, node_chunk, 0)
        plsc.subcore_barrier()
        return 0

    lax.fori_loop(0, NUM_ITERS, iteration, 0)


@functools.lru_cache(maxsize=1)
def _build_kernel():
    mesh = plsc.VectorSubcoreMesh(core_axis_name="c", subcore_axis_name="s")
    return pl.kernel(
        _fp_body,
        out_type=(
            jax.ShapeDtypeStruct((2 * NP, HALF), jnp.float32),
            jax.ShapeDtypeStruct((2 * NP, HALF), jnp.float32),
        ),
        mesh=mesh,
        compiler_params=pltpu.CompilerParams(use_tc_tiling_on_sc=False),
        scratch_types=[
            pltpu.VMEM((CH, CK), jnp.int32),
            pltpu.VMEM((CH, CK), jnp.int32),
        ] + [pltpu.VMEM((CK, HALF), jnp.float32) for _ in range(NSETS)] + [
            pltpu.VMEM((CK, HALF), jnp.float32),
            pltpu.VMEM_SHARED((NP, HALF), jnp.float32),
            pltpu.SemaphoreType.DMA,
            pltpu.SemaphoreType.DMA,
        ],
    )


def _split_pad(a):
    z = jnp.zeros((NP - N_NODES, HALF), jnp.float32)
    return jnp.concatenate([a[:, :HALF], z, a[:, HALF:], z], axis=0)


def kernel(x, edge_index, mask):
    row = edge_index[0]
    col = edge_index[1]

    deg = jax.ops.segment_sum(jnp.ones((N_EDGES,), jnp.float32), row,
                              num_segments=N_NODES)
    dis = jnp.where(deg > 0, lax.rsqrt(deg), 0.0)
    m2 = mask[:, None]
    dis2d = dis[:, None]
    x = x.astype(jnp.float32)
    dxm = _split_pad(jnp.where(m2, dis2d * x, 0.0))
    cfx = _split_pad(jnp.broadcast_to(
        jnp.where(mask, 0.0, dis * dis)[:, None], (N_NODES, D_FEAT)))
    xm = _split_pad(jnp.where(m2, x, 0.0))
    fcf = _split_pad(jnp.broadcast_to(
        jnp.where(mask, 0.0, dis)[:, None], (N_NODES, D_FEAT)))

    pad = NS * EPT - N_EDGES
    colp = jnp.concatenate([col, jnp.full((pad,), N_NODES, jnp.int32)])
    rowp = jnp.concatenate([row, jnp.full((pad,), N_NODES, jnp.int32)])
    colr = colp.reshape(NS, CH, CK)
    colx = jnp.stack([colr, colr + NP])
    rowx = rowp.reshape(NS, CH, CK)

    out2, _ = _build_kernel()(colx, rowx, dxm, cfx, xm, fcf)
    return jnp.concatenate([out2[:N_NODES], out2[NP:NP + N_NODES]], axis=1)

# --- scband reference (transcript-rebuilt; emitter-appended) ---
"""Pipeline reference for scband-feature-propagation-30270929502479 (READ-ONLY COPY).

The authoritative reference and input builder live on the scoring server;
editing this copy changes nothing except your own understanding.
"""

import jax, jax.numpy as jnp
import numpy as np

N_NODES = 10000
N_EDGES = 320000
D_FEAT = 128
NUM_ITERATIONS = 40


def setup_inputs(seed: int = 0) -> dict:
    key = jax.random.key(seed)
    k1, k2, k3 = jax.random.split(key, 3)
    x = jax.random.normal(k1, (N_NODES, D_FEAT), dtype=jnp.float32)
    edge_index = jax.random.randint(k2, (2, N_EDGES), 0, N_NODES, dtype=jnp.int32)
    mask = jax.random.bernoulli(k3, 0.5, (N_NODES,))
    return {"x": x, "edge_index": edge_index, "mask": mask}


def reference(x, edge_index, mask):
    # Build symmetric-normalized adjacency weights, matching
    # get_laplacian(..., normalization='sym') followed by
    # remove_self_loops(edge_index, -edge_weight):
    # w_e = deg[row]^-0.5 * deg[col]^-0.5 on the original edges.
    row = edge_index[0]
    col = edge_index[1]
    ones = jnp.ones((edge_index.shape[1],), dtype=x.dtype)
    deg = jax.ops.segment_sum(ones, row, num_segments=N_NODES)
    deg_inv_sqrt = jnp.where(deg > 0, deg ** -0.5, 0.0)
    w = deg_inv_sqrt[row] * deg_inv_sqrt[col]

    # out = zeros; out[mask] = x[mask]
    mask2d = mask[:, None]
    out = jnp.where(mask2d, x, 0.0)
    for _ in range(NUM_ITERATIONS):
        # out = spmm(adj, out): out_new[i] = sum_{e: row[e]=i} w[e] * out[col[e]]
        msgs = w[:, None] * out[col]
        out = jax.ops.segment_sum(msgs, row, num_segments=N_NODES)
        # out[mask] = x[mask]
        out = jnp.where(mask2d, x, out)
    return out

if __name__ == "__main__":
    import jax
    _d = setup_inputs()
    print(jax.jit(kernel)(*tuple(_d.values())))

</pallas_src>

<mosaic_0001>
#map = affine_map<(d0, d1) -> (0, 0, 0, 0)>
#map1 = affine_map<(d0, d1) -> (0, 0, 0)>
#map2 = affine_map<(d0, d1) -> (0, 0)>
module attributes {stable_mosaic.version = 14 : i64} {
  func.func @_fp_body(%arg0: i32, %arg1: i32, %arg2: memref<2x16x160x128xi32, #tpu.memory_space<hbm>>, %arg3: memref<16x160x128xi32, #tpu.memory_space<hbm>>, %arg4: memref<20480x64xf32, #tpu.memory_space<hbm>>, %arg5: memref<20480x64xf32, #tpu.memory_space<hbm>>, %arg6: memref<20480x64xf32, #tpu.memory_space<hbm>>, %arg7: memref<20480x64xf32, #tpu.memory_space<hbm>>, %arg8: memref<20480x64xf32, #tpu.memory_space<hbm>>, %arg9: memref<20480x64xf32, #tpu.memory_space<hbm>>, %arg10: memref<160x128xi32, #tpu.memory_space<vmem>>, %arg11: memref<160x128xi32, #tpu.memory_space<vmem>>, %arg12: memref<128x64xf32, #tpu.memory_space<vmem>>, %arg13: memref<128x64xf32, #tpu.memory_space<vmem>>, %arg14: memref<128x64xf32, #tpu.memory_space<vmem>>, %arg15: memref<128x64xf32, #tpu.memory_space<vmem>>, %arg16: memref<128x64xf32, #tpu.memory_space<vmem>>, %arg17: memref<128x64xf32, #tpu.memory_space<vmem>>, %arg18: memref<10240x64xf32, #tpu.memory_space<vmem_shared>>, %arg19: memref<!tpu.dma_semaphore, #tpu.memory_space<semaphore_mem>>, %arg20: memref<!tpu.dma_semaphore, #tpu.memory_space<semaphore_mem>>) attributes {dimension_semantics = [#tpu.dimension_semantics<core_parallel>, #tpu.dimension_semantics<subcore_parallel>], iteration_bounds = array<i64: 2, 16>, scalar_prefetch = 0 : i64, scratch_operands = 11 : i64, tpu.core_type = #tpu.core_type<sc_vector_subcore>, window_params = [{transform_indices = #map}, {transform_indices = #map1}, {transform_indices = #map2}, {transform_indices = #map2}, {transform_indices = #map2}, {transform_indices = #map2}, {transform_indices = #map2}, {transform_indices = #map2}]} {
    "tpu.region"() ({
      %run_scoped3A = tpu.sem_alloc : memref<!tpu.dma_semaphore, #tpu.memory_space<semaphore_mem>>
      %dma_start3A = arith.constant 0 : i32
      %dma_start3A_20 = arith.constant 0 : i32
      %dma_start3A_21 = tpu.memref_slice %arg2[%arg0, %arg1, %dma_start3A, %dma_start3A_20] : memref<2x16x160x128xi32, #tpu.memory_space<hbm>> -> memref<1x1x160x128xi32, #tpu.memory_space<hbm>>
      %dma_start3A_22 = tpu.memref_squeeze %dma_start3A_21 : memref<1x1x160x128xi32, #tpu.memory_space<hbm>> -> memref<160x128xi32, #tpu.memory_space<hbm>>
      %dma_start3A_23 = arith.constant 0 : i32
      %dma_start3A_24 = arith.constant 0 : i32
      %dma_start3A_25 = tpu.memref_slice %arg2[%arg0, %arg1, %dma_start3A_23, %dma_start3A_24] : memref<2x16x160x128xi32, #tpu.memory_space<hbm>> -> memref<1x1x160x128xi32, #tpu.memory_space<hbm>>
      %dma_start3A_26 = tpu.memref_squeeze %dma_start3A_25 : memref<1x1x160x128xi32, #tpu.memory_space<hbm>> -> memref<160x128xi32, #tpu.memory_space<hbm>>
      tpu.enqueue_dma source(%dma_start3A_26 : memref<160x128xi32, #tpu.memory_space<hbm>>) target(%arg10 : memref<160x128xi32, #tpu.memory_space<vmem>>) target_semaphore(%run_scoped3A : memref<!tpu.dma_semaphore, #tpu.memory_space<semaphore_mem>>)
      %dma_wait3A = arith.constant 0 : i32
      %dma_wait3A_27 = arith.constant 0 : i32
      %dma_wait3A_28 = tpu.memref_slice %arg2[%arg0, %arg1, %dma_wait3A, %dma_wait3A_27] : memref<2x16x160x128xi32, #tpu.memory_space<hbm>> -> memref<1x1x160x128xi32, #tpu.memory_space<hbm>>
      %dma_wait3A_29 = tpu.memref_squeeze %dma_wait3A_28 : memref<1x1x160x128xi32, #tpu.memory_space<hbm>> -> memref<160x128xi32, #tpu.memory_space<hbm>>
      %dma_wait3A_30 = arith.constant 0 : i32
      %dma_wait3A_31 = arith.constant 0 : i32
      %dma_wait3A_32 = tpu.memref_slice %arg2[%arg0, %arg1, %dma_wait3A_30, %dma_wait3A_31] : memref<2x16x160x128xi32, #tpu.memory_space<hbm>> -> memref<1x1x160x128xi32, #tpu.memory_space<hbm>>
      %dma_wait3A_33 = tpu.memref_squeeze %dma_wait3A_32 : memref<1x1x160x128xi32, #tpu.memory_space<hbm>> -> memref<160x128xi32, #tpu.memory_space<hbm>>
      tpu.wait_dma2 semaphore(%run_scoped3A : memref<!tpu.dma_semaphore, #tpu.memory_space<semaphore_mem>>) src(%dma_wait3A_33 : memref<160x128xi32, #tpu.memory_space<hbm>>) dst(%arg10 : memref<160x128xi32, #tpu.memory_space<vmem>>)
      tpu.yield
    }) : () -> ()
    "tpu.region"() ({
      %run_scoped3A = tpu.sem_alloc : memref<!tpu.dma_semaphore, #tpu.memory_space<semaphore_mem>>
      %dma_start3A = arith.constant 0 : i32
      %dma_start3A_20 = arith.constant 0 : i32
      %dma_start3A_21 = tpu.memref_slice %arg3[%arg1, %dma_start3A, %dma_start3A_20] : memref<16x160x128xi32, #tpu.memory_space<hbm>> -> memref<1x160x128xi32, #tpu.memory_space<hbm>>
      %dma_start3A_22 = tpu.memref_squeeze %dma_start3A_21 : memref<1x160x128xi32, #tpu.memory_space<hbm>> -> memref<160x128xi32, #tpu.memory_space<hbm>>
      %dma_start3A_23 = arith.constant 0 : i32
      %dma_start3A_24 = arith.constant 0 : i32
      %dma_start3A_25 = tpu.memref_slice %arg3[%arg1, %dma_start3A_23, %dma_start3A_24] : memref<16x160x128xi32, #tpu.memory_space<hbm>> -> memref<1x160x128xi32, #tpu.memory_space<hbm>>
      %dma_start3A_26 = tpu.memref_squeeze %dma_start3A_25 : memref<1x160x128xi32, #tpu.memory_space<hbm>> -> memref<160x128xi32, #tpu.memory_space<hbm>>
      tpu.enqueue_dma source(%dma_start3A_26 : memref<160x128xi32, #tpu.memory_space<hbm>>) target(%arg11 : memref<160x128xi32, #tpu.memory_space<vmem>>) target_semaphore(%run_scoped3A : memref<!tpu.dma_semaphore, #tpu.memory_space<semaphore_mem>>)
      %dma_wait3A = arith.constant 0 : i32
      %dma_wait3A_27 = arith.constant 0 : i32
      %dma_wait3A_28 = tpu.memref_slice %arg3[%arg1, %dma_wait3A, %dma_wait3A_27] : memref<16x160x128xi32, #tpu.memory_space<hbm>> -> memref<1x160x128xi32, #tpu.memory_space<hbm>>
      %dma_wait3A_29 = tpu.memref_squeeze %dma_wait3A_28 : memref<1x160x128xi32, #tpu.memory_space<hbm>> -> memref<160x128xi32, #tpu.memory_space<hbm>>
      %dma_wait3A_30 = arith.constant 0 : i32
      %dma_wait3A_31 = arith.constant 0 : i32
      %dma_wait3A_32 = tpu.memref_slice %arg3[%arg1, %dma_wait3A_30, %dma_wait3A_31] : memref<16x160x128xi32, #tpu.memory_space<hbm>> -> memref<1x160x128xi32, #tpu.memory_space<hbm>>
      %dma_wait3A_33 = tpu.memref_squeeze %dma_wait3A_32 : memref<1x160x128xi32, #tpu.memory_space<hbm>> -> memref<160x128xi32, #tpu.memory_space<hbm>>
      tpu.wait_dma2 semaphore(%run_scoped3A : memref<!tpu.dma_semaphore, #tpu.memory_space<semaphore_mem>>) src(%dma_wait3A_33 : memref<160x128xi32, #tpu.memory_space<hbm>>) dst(%arg11 : memref<160x128xi32, #tpu.memory_space<vmem>>)
      tpu.yield
    }) : () -> ()
    %scan3A = arith.constant 0 : i32
    %scan3A_0 = arith.constant 0 : i32
    %scan3A_1 = arith.constant 128 : i32
    %scan3A_2 = arith.addi %scan3A_0, %scan3A_1 : i32
    %scan3A_3 = arith.constant 1 : i32
    %scan3A_4 = scf.for %scan3A_20 = %scan3A_0 to %scan3A_2 step %scan3A_3 iter_args(%scan3A_21 = %scan3A) -> (i32)  : i32 {
      %broadcast_in_dim3A = arith.constant 0.000000e+00 : f32
      %broadcast_in_dim3A_22 = vector.broadcast %broadcast_in_dim3A : f32 to vector<16xf32>
      %swap3A = arith.index_cast %scan3A_20 : i32 to index
      %swap3A_23 = arith.constant 0 : index
      %swap3A_24 = tpu.vector_load %arg17[%swap3A, %swap3A_23] {strides = array<i32>} : memref<128x64xf32, #tpu.memory_space<vmem>>, vector<1x16xf32>,
      %swap3A_25 = vector.shape_cast %swap3A_24 : vector<1x16xf32> to vector<16xf32>
      %swap3A_26 = vector.shape_cast %broadcast_in_dim3A_22 : vector<16xf32> to vector<1x16xf32>
      tpu.vector_store %arg17[%swap3A, %swap3A_23], %swap3A_26 {strides = array<i32>} : memref<128x64xf32, #tpu.memory_space<vmem>>, vector<1x16xf32>,
      %broadcast_in_dim3A_27 = arith.constant 0.000000e+00 : f32
      %broadcast_in_dim3A_28 = vector.broadcast %broadcast_in_dim3A_27 : f32 to vector<16xf32>
      %swap3A_29 = arith.index_cast %scan3A_20 : i32 to index
      %swap3A_30 = arith.constant 16 : index
      %swap3A_31 = tpu.vector_load %arg17[%swap3A_29, %swap3A_30] {strides = array<i32>} : memref<128x64xf32, #tpu.memory_space<vmem>>, vector<1x16xf32>,
      %swap3A_32 = vector.shape_cast %swap3A_31 : vector<1x16xf32> to vector<16xf32>
      %swap3A_33 = vector.shape_cast %broadcast_in_dim3A_28 : vector<16xf32> to vector<1x16xf32>
      tpu.vector_store %arg17[%swap3A_29, %swap3A_30], %swap3A_33 {strides = array<i32>} : memref<128x64xf32, #tpu.memory_space<vmem>>, vector<1x16xf32>,
      %broadcast_in_dim3A_34 = arith.constant 0.000000e+00 : f32
      %broadcast_in_dim3A_35 = vector.broadcast %broadcast_in_dim3A_34 : f32 to vector<16xf32>
      %swap3A_36 = arith.index_cast %scan3A_20 : i32 to index
      %swap3A_37 = arith.constant 32 : index
      %swap3A_38 = tpu.vector_load %arg17[%swap3A_36, %swap3A_37] {strides = array<i32>} : memref<128x64xf32, #tpu.memory_space<vmem>>, vector<1x16xf32>,
      %swap3A_39 = vector.shape_cast %swap3A_38 : vector<1x16xf32> to vector<16xf32>
      %swap3A_40 = vector.shape_cast %broadcast_in_dim3A_35 : vector<16xf32> to vector<1x16xf32>
      tpu.vector_store %arg17[%swap3A_36, %swap3A_37], %swap3A_40 {strides = array<i32>} : memref<128x64xf32, #tpu.memory_space<vmem>>, vector<1x16xf32>,
      %broadcast_in_dim3A_41 = arith.constant 0.000000e+00 : f32
      %broadcast_in_dim3A_42 = vector.broadcast %broadcast_in_dim3A_41 : f32 to vector<16xf32>
      %swap3A_43 = arith.index_cast %scan3A_20 : i32 to index
      %swap3A_44 = arith.constant 48 : index
      %swap3A_45 = tpu.vector_load %arg17[%swap3A_43, %swap3A_44] {strides = array<i32>} : memref<128x64xf32, #tpu.memory_space<vmem>>, vector<1x16xf32>,
      %swap3A_46 = vector.shape_cast %swap3A_45 : vector<1x16xf32> to vector<16xf32>
      %swap3A_47 = vector.shape_cast %broadcast_in_dim3A_42 : vector<16xf32> to vector<1x16xf32>
      tpu.vector_store %arg17[%swap3A_43, %swap3A_44], %swap3A_47 {strides = array<i32>} : memref<128x64xf32, #tpu.memory_space<vmem>>, vector<1x16xf32>,
      %scan3A_48 = arith.constant 0 : i32
      scf.yield %scan3A_48 : i32
    }
    %scan3A_5 = arith.constant 128 : i32
    %scan3A_6 = arith.constant 0 : i32
    %scan3A_7 = arith.constant 0 : i32
    %scan3A_8 = arith.constant 5 : i32
    %scan3A_9 = arith.addi %scan3A_7, %scan3A_8 : i32
    %scan3A_10 = arith.constant 1 : i32
    %scan3A_11 = scf.for %scan3A_20 = %scan3A_7 to %scan3A_9 step %scan3A_10 iter_args(%scan3A_21 = %scan3A_6) -> (i32)  : i32 {
      %mul3A = arith.constant 640 : i32
      %mul3A_22 = arith.muli %arg1, %mul3A : i32
      %mul3A_23 = arith.constant 128 : i32
      %mul3A_24 = arith.muli %scan3A_20, %mul3A_23 : i32
      %add3A = arith.addi %mul3A_22, %mul3A_24 : i32
      %mul3A_25 = arith.constant 10240 : i32
      %mul3A_26 = arith.muli %arg0, %mul3A_25 : i32
      %add3A_27 = arith.addi %mul3A_26, %add3A : i32
      "tpu.region"() ({
        %run_scoped3A = tpu.sem_alloc : memref<!tpu.dma_semaphore, #tpu.memory_space<semaphore_mem>>
        %dma_start3A = arith.constant 0 : i32
        %dma_start3A_29 = tpu.memref_slice %arg18[%add3A, %dma_start3A] : memref<10240x64xf32, #tpu.memory_space<vmem_shared>> -> memref<128x64xf32, #tpu.memory_space<vmem_shared>>
        %dma_start3A_30 = arith.constant 0 : i32
        %dma_start3A_31 = tpu.memref_slice %arg18[%add3A, %dma_start3A_30] : memref<10240x64xf32, #tpu.memory_space<vmem_shared>> -> memref<128x64xf32, #tpu.memory_space<vmem_shared>>
        tpu.enqueue_dma source(%arg17 : memref<128x64xf32, #tpu.memory_space<vmem>>) target(%dma_start3A_31 : memref<128x64xf32, #tpu.memory_space<vmem_shared>>) target_semaphore(%run_scoped3A : memref<!tpu.dma_semaphore, #tpu.memory_space<semaphore_mem>>)
        %dma_wait3A = arith.constant 0 : i32
        %dma_wait3A_32 = tpu.memref_slice %arg18[%add3A, %dma_wait3A] : memref<10240x64xf32, #tpu.memory_space<vmem_shared>> -> memref<128x64xf32, #tpu.memory_space<vmem_shared>>
        %dma_wait3A_33 = arith.constant 0 : i32
        %dma_wait3A_34 = tpu.memref_slice %arg18[%add3A, %dma_wait3A_33] : memref<10240x64xf32, #tpu.memory_space<vmem_shared>> -> memref<128x64xf32, #tpu.memory_space<vmem_shared>>
        tpu.wait_dma2 semaphore(%run_scoped3A : memref<!tpu.dma_semaphore, #tpu.memory_space<semaphore_mem>>) src(%arg17 : memref<128x64xf32, #tpu.memory_space<vmem>>) dst(%dma_wait3A_34 : memref<128x64xf32, #tpu.memory_space<vmem_shared>>)
        tpu.yield
      }) : () -> ()
      "tpu.region"() ({
        %run_scoped3A = tpu.sem_alloc : memref<!tpu.dma_semaphore, #tpu.memory_space<semaphore_mem>>
        %dma_start3A = arith.constant 0 : i32
        %dma_start3A_29 = tpu.memref_slice %arg4[%add3A_27, %dma_start3A] : memref<20480x64xf32, #tpu.memory_space<hbm>> -> memref<128x64xf32, #tpu.memory_space<hbm>>
        %dma_start3A_30 = arith.constant 0 : i32
        %dma_start3A_31 = tpu.memref_slice %arg4[%add3A_27, %dma_start3A_30] : memref<20480x64xf32, #tpu.memory_space<hbm>> -> memref<128x64xf32, #tpu.memory_space<hbm>>
        tpu.enqueue_dma source(%dma_start3A_31 : memref<128x64xf32, #tpu.memory_space<hbm>>) target(%arg12 : memref<128x64xf32, #tpu.memory_space<vmem>>) target_semaphore(%run_scoped3A : memref<!tpu.dma_semaphore, #tpu.memory_space<semaphore_mem>>)
        %dma_wait3A = arith.constant 0 : i32
        %dma_wait3A_32 = tpu.memref_slice %arg4[%add3A_27, %dma_wait3A] : memref<20480x64xf32, #tpu.memory_space<hbm>> -> memref<128x64xf32, #tpu.memory_space<hbm>>
        %dma_wait3A_33 = arith.constant 0 : i32
        %dma_wait3A_34 = tpu.memref_slice %arg4[%add3A_27, %dma_wait3A_33] : memref<20480x64xf32, #tpu.memory_space<hbm>> -> memref<128x64xf32, #tpu.memory_space<hbm>>
        tpu.wait_dma2 semaphore(%run_scoped3A : memref<!tpu.dma_semaphore, #tpu.memory_space<semaphore_mem>>) src(%dma_wait3A_34 : memref<128x64xf32, #tpu.memory_space<hbm>>) dst(%arg12 : memref<128x64xf32, #tpu.memory_space<vmem>>)
        tpu.yield
      }) : () -> ()
      "tpu.region"() ({
        %run_scoped3A = tpu.sem_alloc : memref<!tpu.dma_semaphore, #tpu.memory_space<semaphore_mem>>
        %dma_start3A = arith.constant 0 : i32
        %dma_start3A_29 = tpu.memref_slice %arg9[%add3A_27, %dma_start3A] : memref<20480x64xf32, #tpu.memory_space<hbm>> -> memref<128x64xf32, #tpu.memory_space<hbm>>
        %dma_start3A_30 = arith.constant 0 : i32
        %dma_start3A_31 = tpu.memref_slice %arg9[%add3A_27, %dma_start3A_30] : memref<20480x64xf32, #tpu.memory_space<hbm>> -> memref<128x64xf32, #tpu.memory_space<hbm>>
        tpu.enqueue_dma source(%arg12 : memref<128x64xf32, #tpu.memory_space<vmem>>) target(%dma_start3A_31 : memref<128x64xf32, #tpu.memory_space<hbm>>) target_semaphore(%run_scoped3A : memref<!tpu.dma_semaphore, #tpu.memory_space<semaphore_mem>>)
        %dma_wait3A = arith.constant 0 : i32
        %dma_wait3A_32 = tpu.memref_slice %arg9[%add3A_27, %dma_wait3A] : memref<20480x64xf32, #tpu.memory_space<hbm>> -> memref<128x64xf32, #tpu.memory_space<hbm>>
        %dma_wait3A_33 = arith.constant 0 : i32
        %dma_wait3A_34 = tpu.memref_slice %arg9[%add3A_27, %dma_wait3A_33] : memref<20480x64xf32, #tpu.memory_space<hbm>> -> memref<128x64xf32, #tpu.memory_space<hbm>>
        tpu.wait_dma2 semaphore(%run_scoped3A : memref<!tpu.dma_semaphore, #tpu.memory_space<semaphore_mem>>) src(%arg12 : memref<128x64xf32, #tpu.memory_space<vmem>>) dst(%dma_wait3A_34 : memref<128x64xf32, #tpu.memory_space<hbm>>)
        tpu.yield
      }) : () -> ()
      %scan3A_28 = arith.constant 0 : i32
      scf.yield %scan3A_28 : i32
    }
    %scan3A_12 = arith.constant 5 : i32
    %barrier3A = arith.constant 0 : index
    tpu.barrier barrier_id(%barrier3A)
    %scan3A_13 = arith.constant 0 : i32
    %scan3A_14 = arith.constant 0 : i32
    %scan3A_15 = arith.constant 40 : i32
    %scan3A_16 = arith.addi %scan3A_14, %scan3A_15 : i32
    %scan3A_17 = arith.constant 1 : i32
    %scan3A_18 = scf.for %scan3A_20 = %scan3A_14 to %scan3A_16 step %scan3A_17 iter_args(%scan3A_21 = %scan3A_13) -> (i32)  : i32 {
      %dma_start3A = arith.constant 0 : i32
      %dma_start3A_22 = arith.constant 0 : i32
      %dma_start3A_23 = tpu.memref_slice %arg10[%dma_start3A, %dma_start3A_22] : memref<160x128xi32, #tpu.memory_space<vmem>> -> memref<1x128xi32, #tpu.memory_space<vmem>>
      %dma_start3A_24 = tpu.memref_squeeze %dma_start3A_23 : memref<1x128xi32, #tpu.memory_space<vmem>> -> memref<128xi32, #tpu.memory_space<vmem>>
      %dma_start3A_25 = arith.constant 0 : i32
      %dma_start3A_26 = arith.constant 0 : i32
      %dma_start3A_27 = tpu.memref_slice %arg9[%dma_start3A_25, %dma_start3A_26] : memref<20480x64xf32, #tpu.memory_space<hbm>> -> memref<20480x64xf32, #tpu.memory_space<hbm>>
      tpu.enqueue_indirect_dma source(%dma_start3A_27 : memref<20480x64xf32, #tpu.memory_space<hbm>>) target(%arg12 : memref<128x64xf32, #tpu.memory_space<vmem>>) offsets(%dma_start3A_24 : memref<128xi32, #tpu.memory_space<vmem>>) semaphore(%arg19 : memref<!tpu.dma_semaphore, #tpu.memory_space<semaphore_mem>>)
      %dma_start3A_28 = arith.constant 1 : i32
      %dma_start3A_29 = arith.constant 0 : i32
      %dma_start3A_30 = tpu.memref_slice %arg10[%dma_start3A_28, %dma_start3A_29] : memref<160x128xi32, #tpu.memory_space<vmem>> -> memref<1x128xi32, #tpu.memory_space<vmem>>
      %dma_start3A_31 = tpu.memref_squeeze %dma_start3A_30 : memref<1x128xi32, #tpu.memory_space<vmem>> -> memref<128xi32, #tpu.memory_space<vmem>>
      %dma_start3A_32 = arith.constant 0 : i32
      %dma_start3A_33 = arith.constant 0 : i32
      %dma_start3A_34 = tpu.memref_slice %arg9[%dma_start3A_32, %dma_start3A_33] : memref<20480x64xf32, #tpu.memory_space<hbm>> -> memref<20480x64xf32, #tpu.memory_space<hbm>>
      tpu.enqueue_indirect_dma source(%dma_start3A_34 : memref<20480x64xf32, #tpu.memory_space<hbm>>) target(%arg13 : memref<128x64xf32, #tpu.memory_space<vmem>>) offsets(%dma_start3A_31 : memref<128xi32, #tpu.memory_space<vmem>>) semaphore(%arg19 : memref<!tpu.dma_semaphore, #tpu.memory_space<semaphore_mem>>)
      %dma_start3A_35 = arith.constant 2 : i32
      %dma_start3A_36 = arith.constant 0 : i32
      %dma_start3A_37 = tpu.memref_slice %arg10[%dma_start3A_35, %dma_start3A_36] : memref<160x128xi32, #tpu.memory_space<vmem>> -> memref<1x128xi32, #tpu.memory_space<vmem>>
      %dma_start3A_38 = tpu.memref_squeeze %dma_start3A_37 : memref<1x128xi32, #tpu.memory_space<vmem>> -> memref<128xi32, #tpu.memory_space<vmem>>
      %dma_start3A_39 = arith.constant 0 : i32
      %dma_start3A_40 = arith.constant 0 : i32
      %dma_start3A_41 = tpu.memref_slice %arg9[%dma_start3A_39, %dma_start3A_40] : memref<20480x64xf32, #tpu.memory_space<hbm>> -> memref<20480x64xf32, #tpu.memory_space<hbm>>
      tpu.enqueue_indirect_dma source(%dma_start3A_41 : memref<20480x64xf32, #tpu.memory_space<hbm>>) target(%arg14 : memref<128x64xf32, #tpu.memory_space<vmem>>) offsets(%dma_start3A_38 : memref<128xi32, #tpu.memory_space<vmem>>) semaphore(%arg19 : memref<!tpu.dma_semaphore, #tpu.memory_space<semaphore_mem>>)
      %scan3A_42 = arith.constant 0 : i32
      %scan3A_43 = arith.constant 0 : i32
      %scan3A_44 = arith.constant 32 : i32
      %scan3A_45 = arith.addi %scan3A_43, %scan3A_44 : i32
      %scan3A_46 = arith.constant 1 : i32
      %scan3A_47 = scf.for %scan3A_72 = %scan3A_43 to %scan3A_45 step %scan3A_46 iter_args(%scan3A_73 = %scan3A_42) -> (i32)  : i32 {
        %mul3A = arith.constant 5 : i32
        %mul3A_74 = arith.muli %scan3A_72, %mul3A : i32
        %add3A = arith.constant 0 : i32
        %add3A_75 = arith.addi %mul3A_74, %add3A : i32
        %dma_wait3A_76 = arith.constant 0 : i32
        %dma_wait3A_77 = arith.constant 0 : i32
        %dma_wait3A_78 = tpu.memref_slice %arg10[%dma_wait3A_76, %dma_wait3A_77] : memref<160x128xi32, #tpu.memory_space<vmem>> -> memref<1x128xi32, #tpu.memory_space<vmem>>
        %dma_wait3A_79 = tpu.memref_squeeze %dma_wait3A_78 : memref<1x128xi32, #tpu.memory_space<vmem>> -> memref<128xi32, #tpu.memory_space<vmem>>
        %dma_wait3A_80 = arith.constant 0 : i32
        %dma_wait3A_81 = arith.constant 0 : i32
        %dma_wait3A_82 = tpu.memref_slice %arg9[%dma_wait3A_80, %dma_wait3A_81] : memref<20480x64xf32, #tpu.memory_space<hbm>> -> memref<20480x64xf32, #tpu.memory_space<hbm>>
        tpu.wait_indirect_dma semaphore(%arg19 : memref<!tpu.dma_semaphore, #tpu.memory_space<semaphore_mem>>) src(%dma_wait3A_82 : memref<20480x64xf32, #tpu.memory_space<hbm>>) dst(%arg12 : memref<128x64xf32, #tpu.memory_space<vmem>>)
        %dma_start3A_83 = arith.constant 0 : i32
        %dma_start3A_84 = tpu.memref_slice %arg11[%add3A_75, %dma_start3A_83] : memref<160x128xi32, #tpu.memory_space<vmem>> -> memref<1x128xi32, #tpu.memory_space<vmem>>
        %dma_start3A_85 = tpu.memref_squeeze %dma_start3A_84 : memref<1x128xi32, #tpu.memory_space<vmem>> -> memref<128xi32, #tpu.memory_space<vmem>>
        %dma_start3A_86 = arith.constant 0 : i32
        %dma_start3A_87 = arith.constant 0 : i32
        %dma_start3A_88 = tpu.memref_slice %arg18[%dma_start3A_86, %dma_start3A_87] : memref<10240x64xf32, #tpu.memory_space<vmem_shared>> -> memref<10240x64xf32, #tpu.memory_space<vmem_shared>>
        tpu.enqueue_indirect_dma source(%arg12 : memref<128x64xf32, #tpu.memory_space<vmem>>) target(%dma_start3A_88 : memref<10240x64xf32, #tpu.memory_space<vmem_shared>>) offsets(%dma_start3A_85 : memref<128xi32, #tpu.memory_space<vmem>>) semaphore(%arg20 : memref<!tpu.dma_semaphore, #tpu.memory_space<semaphore_mem>>) {add = true}
        %ge3A = arith.constant 2 : i32
        %ge3A_89 = arith.cmpi sge, %add3A_75, %ge3A : i32
        %convert_element_type3A = arith.extui %ge3A_89 : i1 to i32
        %cond3A = arith.constant 0 : i32
        %cond3A_90 = arith.cmpi ne, %convert_element_type3A, %cond3A : i32
        scf.if %cond3A_90 {
          %dma_wait3A_214 = arith.constant 0 : i32
          %dma_wait3A_215 = arith.constant 0 : i32
          %dma_wait3A_216 = tpu.memref_slice %arg11[%dma_wait3A_214, %dma_wait3A_215] : memref<160x128xi32, #tpu.memory_space<vmem>> -> memref<1x128xi32, #tpu.memory_space<vmem>>
          %dma_wait3A_217 = tpu.memref_squeeze %dma_wait3A_216 : memref<1x128xi32, #tpu.memory_space<vmem>> -> memref<128xi32, #tpu.memory_space<vmem>>
          %dma_wait3A_218 = arith.constant 0 : i32
          %dma_wait3A_219 = arith.constant 0 : i32
          %dma_wait3A_220 = tpu.memref_slice %arg18[%dma_wait3A_218, %dma_wait3A_219] : memref<10240x64xf32, #tpu.memory_space<vmem_shared>> -> memref<10240x64xf32, #tpu.memory_space<vmem_shared>>
          tpu.wait_indirect_dma semaphore(%arg20 : memref<!tpu.dma_semaphore, #tpu.memory_space<semaphore_mem>>) src(%arg15 : memref<128x64xf32, #tpu.memory_space<vmem>>) dst(%dma_wait3A_220 : memref<10240x64xf32, #tpu.memory_space<vmem_shared>>)
        } else {
        }
        %add3A_91 = arith.constant 3 : i32
        %add3A_92 = arith.addi %add3A_75, %add3A_91 : i32
        %lt3A = arith.constant 160 : i32
        %lt3A_93 = arith.cmpi slt, %add3A_92, %lt3A : i32
        %convert_element_type3A_94 = arith.extui %lt3A_93 : i1 to i32
        %cond3A_95 = arith.constant 0 : i32
        %cond3A_96 = arith.cmpi ne, %convert_element_type3A_94, %cond3A_95 : i32
        scf.if %cond3A_96 {
          %add3A_214 = arith.constant 3 : i32
          %add3A_215 = arith.addi %add3A_75, %add3A_214 : i32
          %dma_start3A_216 = arith.constant 0 : i32
          %dma_start3A_217 = tpu.memref_slice %arg10[%add3A_215, %dma_start3A_216] : memref<160x128xi32, #tpu.memory_space<vmem>> -> memref<1x128xi32, #tpu.memory_space<vmem>>
          %dma_start3A_218 = tpu.memref_squeeze %dma_start3A_217 : memref<1x128xi32, #tpu.memory_space<vmem>> -> memref<128xi32, #tpu.memory_space<vmem>>
          %dma_start3A_219 = arith.constant 0 : i32
          %dma_start3A_220 = arith.constant 0 : i32
          %dma_start3A_221 = tpu.memref_slice %arg9[%dma_start3A_219, %dma_start3A_220] : memref<20480x64xf32, #tpu.memory_space<hbm>> -> memref<20480x64xf32, #tpu.memory_space<hbm>>
          tpu.enqueue_indirect_dma source(%dma_start3A_221 : memref<20480x64xf32, #tpu.memory_space<hbm>>) target(%arg15 : memref<128x64xf32, #tpu.memory_space<vmem>>) offsets(%dma_start3A_218 : memref<128xi32, #tpu.memory_space<vmem>>) semaphore(%arg19 : memref<!tpu.dma_semaphore, #tpu.memory_space<semaphore_mem>>)
        } else {
        }
        %mul3A_97 = arith.constant 5 : i32
        %mul3A_98 = arith.muli %scan3A_72, %mul3A_97 : i32
        %add3A_99 = arith.constant 1 : i32
        %add3A_100 = arith.addi %mul3A_98, %add3A_99 : i32
        %dma_wait3A_101 = arith.constant 0 : i32
        %dma_wait3A_102 = arith.constant 0 : i32
        %dma_wait3A_103 = tpu.memref_slice %arg10[%dma_wait3A_101, %dma_wait3A_102] : memref<160x128xi32, #tpu.memory_space<vmem>> -> memref<1x128xi32, #tpu.memory_space<vmem>>
        %dma_wait3A_104 = tpu.memref_squeeze %dma_wait3A_103 : memref<1x128xi32, #tpu.memory_space<vmem>> -> memref<128xi32, #tpu.memory_space<vmem>>
        %dma_wait3A_105 = arith.constant 0 : i32
        %dma_wait3A_106 = arith.constant 0 : i32
        %dma_wait3A_107 = tpu.memref_slice %arg9[%dma_wait3A_105, %dma_wait3A_106] : memref<20480x64xf32, #tpu.memory_space<hbm>> -> memref<20480x64xf32, #tpu.memory_space<hbm>>
        tpu.wait_indirect_dma semaphore(%arg19 : memref<!tpu.dma_semaphore, #tpu.memory_space<semaphore_mem>>) src(%dma_wait3A_107 : memref<20480x64xf32, #tpu.memory_space<hbm>>) dst(%arg13 : memref<128x64xf32, #tpu.memory_space<vmem>>)
        %dma_start3A_108 = arith.constant 0 : i32
        %dma_start3A_109 = tpu.memref_slice %arg11[%add3A_100, %dma_start3A_108] : memref<160x128xi32, #tpu.memory_space<vmem>> -> memref<1x128xi32, #tpu.memory_space<vmem>>
        %dma_start3A_110 = tpu.memref_squeeze %dma_start3A_109 : memref<1x128xi32, #tpu.memory_space<vmem>> -> memref<128xi32, #tpu.memory_space<vmem>>
        %dma_start3A_111 = arith.constant 0 : i32
        %dma_start3A_112 = arith.constant 0 : i32
        %dma_start3A_113 = tpu.memref_slice %arg18[%dma_start3A_111, %dma_start3A_112] : memref<10240x64xf32, #tpu.memory_space<vmem_shared>> -> memref<10240x64xf32, #tpu.memory_space<vmem_shared>>
        tpu.enqueue_indirect_dma source(%arg13 : memref<128x64xf32, #tpu.memory_space<vmem>>) target(%dma_start3A_113 : memref<10240x64xf32, #tpu.memory_space<vmem_shared>>) offsets(%dma_start3A_110 : memref<128xi32, #tpu.memory_space<vmem>>) semaphore(%arg20 : memref<!tpu.dma_semaphore, #tpu.memory_space<semaphore_mem>>) {add = true}
        %ge3A_114 = arith.constant 2 : i32
        %ge3A_115 = arith.cmpi sge, %add3A_100, %ge3A_114 : i32
        %convert_element_type3A_116 = arith.extui %ge3A_115 : i1 to i32
        %cond3A_117 = arith.constant 0 : i32
        %cond3A_118 = arith.cmpi ne, %convert_element_type3A_116, %cond3A_117 : i32
        scf.if %cond3A_118 {
          %dma_wait3A_214 = arith.constant 0 : i32
          %dma_wait3A_215 = arith.constant 0 : i32
          %dma_wait3A_216 = tpu.memref_slice %arg11[%dma_wait3A_214, %dma_wait3A_215] : memref<160x128xi32, #tpu.memory_space<vmem>> -> memref<1x128xi32, #tpu.memory_space<vmem>>
          %dma_wait3A_217 = tpu.memref_squeeze %dma_wait3A_216 : memref<1x128xi32, #tpu.memory_space<vmem>> -> memref<128xi32, #tpu.memory_space<vmem>>
          %dma_wait3A_218 = arith.constant 0 : i32
          %dma_wait3A_219 = arith.constant 0 : i32
          %dma_wait3A_220 = tpu.memref_slice %arg18[%dma_wait3A_218, %dma_wait3A_219] : memref<10240x64xf32, #tpu.memory_space<vmem_shared>> -> memref<10240x64xf32, #tpu.memory_space<vmem_shared>>
          tpu.wait_indirect_dma semaphore(%arg20 : memref<!tpu.dma_semaphore, #tpu.memory_space<semaphore_mem>>) src(%arg16 : memref<128x64xf32, #tpu.memory_space<vmem>>) dst(%dma_wait3A_220 : memref<10240x64xf32, #tpu.memory_space<vmem_shared>>)
        } else {
        }
        %add3A_119 = arith.constant 3 : i32
        %add3A_120 = arith.addi %add3A_100, %add3A_119 : i32
        %lt3A_121 = arith.constant 160 : i32
        %lt3A_122 = arith.cmpi slt, %add3A_120, %lt3A_121 : i32
        %convert_element_type3A_123 = arith.extui %lt3A_122 : i1 to i32
        %cond3A_124 = arith.constant 0 : i32
        %cond3A_125 = arith.cmpi ne, %convert_element_type3A_123, %cond3A_124 : i32
        scf.if %cond3A_125 {
          %add3A_214 = arith.constant 3 : i32
          %add3A_215 = arith.addi %add3A_100, %add3A_214 : i32
          %dma_start3A_216 = arith.constant 0 : i32
          %dma_start3A_217 = tpu.memref_slice %arg10[%add3A_215, %dma_start3A_216] : memref<160x128xi32, #tpu.memory_space<vmem>> -> memref<1x128xi32, #tpu.memory_space<vmem>>
          %dma_start3A_218 = tpu.memref_squeeze %dma_start3A_217 : memref<1x128xi32, #tpu.memory_space<vmem>> -> memref<128xi32, #tpu.memory_space<vmem>>
          %dma_start3A_219 = arith.constant 0 : i32
          %dma_start3A_220 = arith.constant 0 : i32
          %dma_start3A_221 = tpu.memref_slice %arg9[%dma_start3A_219, %dma_start3A_220] : memref<20480x64xf32, #tpu.memory_space<hbm>> -> memref<20480x64xf32, #tpu.memory_space<hbm>>
          tpu.enqueue_indirect_dma source(%dma_start3A_221 : memref<20480x64xf32, #tpu.memory_space<hbm>>) target(%arg16 : memref<128x64xf32, #tpu.memory_space<vmem>>) offsets(%dma_start3A_218 : memref<128xi32, #tpu.memory_space<vmem>>) semaphore(%arg19 : memref<!tpu.dma_semaphore, #tpu.memory_space<semaphore_mem>>)
        } else {
        }
        %mul3A_126 = arith.constant 5 : i32
        %mul3A_127 = arith.muli %scan3A_72, %mul3A_126 : i32
        %add3A_128 = arith.constant 2 : i32
        %add3A_129 = arith.addi %mul3A_127, %add3A_128 : i32
        %dma_wait3A_130 = arith.constant 0 : i32
        %dma_wait3A_131 = arith.constant 0 : i32
        %dma_wait3A_132 = tpu.memref_slice %arg10[%dma_wait3A_130, %dma_wait3A_131] : memref<160x128xi32, #tpu.memory_space<vmem>> -> memref<1x128xi32, #tpu.memory_space<vmem>>
        %dma_wait3A_133 = tpu.memref_squeeze %dma_wait3A_132 : memref<1x128xi32, #tpu.memory_space<vmem>> -> memref<128xi32, #tpu.memory_space<vmem>>
        %dma_wait3A_134 = arith.constant 0 : i32
        %dma_wait3A_135 = arith.constant 0 : i32
        %dma_wait3A_136 = tpu.memref_slice %arg9[%dma_wait3A_134, %dma_wait3A_135] : memref<20480x64xf32, #tpu.memory_space<hbm>> -> memref<20480x64xf32, #tpu.memory_space<hbm>>
        tpu.wait_indirect_dma semaphore(%arg19 : memref<!tpu.dma_semaphore, #tpu.memory_space<semaphore_mem>>) src(%dma_wait3A_136 : memref<20480x64xf32, #tpu.memory_space<hbm>>) dst(%arg14 : memref<128x64xf32, #tpu.memory_space<vmem>>)
        %dma_start3A_137 = arith.constant 0 : i32
        %dma_start3A_138 = tpu.memref_slice %arg11[%add3A_129, %dma_start3A_137] : memref<160x128xi32, #tpu.memory_space<vmem>> -> memref<1x128xi32, #tpu.memory_space<vmem>>
        %dma_start3A_139 = tpu.memref_squeeze %dma_start3A_138 : memref<1x128xi32, #tpu.memory_space<vmem>> -> memref<128xi32, #tpu.memory_space<vmem>>
        %dma_start3A_140 = arith.constant 0 : i32
        %dma_start3A_141 = arith.constant 0 : i32
        %dma_start3A_142 = tpu.memref_slice %arg18[%dma_start3A_140, %dma_start3A_141] : memref<10240x64xf32, #tpu.memory_space<vmem_shared>> -> memref<10240x64xf32, #tpu.memory_space<vmem_shared>>
        tpu.enqueue_indirect_dma source(%arg14 : memref<128x64xf32, #tpu.memory_space<vmem>>) target(%dma_start3A_142 : memref<10240x64xf32, #tpu.memory_space<vmem_shared>>) offsets(%dma_start3A_139 : memref<128xi32, #tpu.memory_space<vmem>>) semaphore(%arg20 : memref<!tpu.dma_semaphore, #tpu.memory_space<semaphore_mem>>) {add = true}
        %ge3A_143 = arith.constant 2 : i32
        %ge3A_144 = arith.cmpi sge, %add3A_129, %ge3A_143 : i32
        %convert_element_type3A_145 = arith.extui %ge3A_144 : i1 to i32
        %cond3A_146 = arith.constant 0 : i32
        %cond3A_147 = arith.cmpi ne, %convert_element_type3A_145, %cond3A_146 : i32
        scf.if %cond3A_147 {
          %dma_wait3A_214 = arith.constant 0 : i32
          %dma_wait3A_215 = arith.constant 0 : i32
          %dma_wait3A_216 = tpu.memref_slice %arg11[%dma_wait3A_214, %dma_wait3A_215] : memref<160x128xi32, #tpu.memory_space<vmem>> -> memref<1x128xi32, #tpu.memory_space<vmem>>
          %dma_wait3A_217 = tpu.memref_squeeze %dma_wait3A_216 : memref<1x128xi32, #tpu.memory_space<vmem>> -> memref<128xi32, #tpu.memory_space<vmem>>
          %dma_wait3A_218 = arith.constant 0 : i32
          %dma_wait3A_219 = arith.constant 0 : i32
          %dma_wait3A_220 = tpu.memref_slice %arg18[%dma_wait3A_218, %dma_wait3A_219] : memref<10240x64xf32, #tpu.memory_space<vmem_shared>> -> memref<10240x64xf32, #tpu.memory_space<vmem_shared>>
          tpu.wait_indirect_dma semaphore(%arg20 : memref<!tpu.dma_semaphore, #tpu.memory_space<semaphore_mem>>) src(%arg12 : memref<128x64xf32, #tpu.memory_space<vmem>>) dst(%dma_wait3A_220 : memref<10240x64xf32, #tpu.memory_space<vmem_shared>>)
        } else {
        }
        %add3A_148 = arith.constant 3 : i32
        %add3A_149 = arith.addi %add3A_129, %add3A_148 : i32
        %lt3A_150 = arith.constant 160 : i32
        %lt3A_151 = arith.cmpi slt, %add3A_149, %lt3A_150 : i32
        %convert_element_type3A_152 = arith.extui %lt3A_151 : i1 to i32
        %cond3A_153 = arith.constant 0 : i32
        %cond3A_154 = arith.cmpi ne, %convert_element_type3A_152, %cond3A_153 : i32
        scf.if %cond3A_154 {
          %add3A_214 = arith.constant 3 : i32
          %add3A_215 = arith.addi %add3A_129, %add3A_214 : i32
          %dma_start3A_216 = arith.constant 0 : i32
          %dma_start3A_217 = tpu.memref_slice %arg10[%add3A_215, %dma_start3A_216] : memref<160x128xi32, #tpu.memory_space<vmem>> -> memref<1x128xi32, #tpu.memory_space<vmem>>
          %dma_start3A_218 = tpu.memref_squeeze %dma_start3A_217 : memref<1x128xi32, #tpu.memory_space<vmem>> -> memref<128xi32, #tpu.memory_space<vmem>>
          %dma_start3A_219 = arith.constant 0 : i32
          %dma_start3A_220 = arith.constant 0 : i32
          %dma_start3A_221 = tpu.memref_slice %arg9[%dma_start3A_219, %dma_start3A_220] : memref<20480x64xf32, #tpu.memory_space<hbm>> -> memref<20480x64xf32, #tpu.memory_space<hbm>>
          tpu.enqueue_indirect_dma source(%dma_start3A_221 : memref<20480x64xf32, #tpu.memory_space<hbm>>) target(%arg12 : memref<128x64xf32, #tpu.memory_space<vmem>>) offsets(%dma_start3A_218 : memref<128xi32, #tpu.memory_space<vmem>>) semaphore(%arg19 : memref<!tpu.dma_semaphore, #tpu.memory_space<semaphore_mem>>)
        } else {
        }
        %mul3A_155 = arith.constant 5 : i32
        %mul3A_156 = arith.muli %scan3A_72, %mul3A_155 : i32
        %add3A_157 = arith.constant 3 : i32
        %add3A_158 = arith.addi %mul3A_156, %add3A_157 : i32
        %dma_wait3A_159 = arith.constant 0 : i32
        %dma_wait3A_160 = arith.constant 0 : i32
        %dma_wait3A_161 = tpu.memref_slice %arg10[%dma_wait3A_159, %dma_wait3A_160] : memref<160x128xi32, #tpu.memory_space<vmem>> -> memref<1x128xi32, #tpu.memory_space<vmem>>
        %dma_wait3A_162 = tpu.memref_squeeze %dma_wait3A_161 : memref<1x128xi32, #tpu.memory_space<vmem>> -> memref<128xi32, #tpu.memory_space<vmem>>
        %dma_wait3A_163 = arith.constant 0 : i32
        %dma_wait3A_164 = arith.constant 0 : i32
        %dma_wait3A_165 = tpu.memref_slice %arg9[%dma_wait3A_163, %dma_wait3A_164] : memref<20480x64xf32, #tpu.memory_space<hbm>> -> memref<20480x64xf32, #tpu.memory_space<hbm>>
        tpu.wait_indirect_dma semaphore(%arg19 : memref<!tpu.dma_semaphore, #tpu.memory_space<semaphore_mem>>) src(%dma_wait3A_165 : memref<20480x64xf32, #tpu.memory_space<hbm>>) dst(%arg15 : memref<128x64xf32, #tpu.memory_space<vmem>>)
        %dma_start3A_166 = arith.constant 0 : i32
        %dma_start3A_167 = tpu.memref_slice %arg11[%add3A_158, %dma_start3A_166] : memref<160x128xi32, #tpu.memory_space<vmem>> -> memref<1x128xi32, #tpu.memory_space<vmem>>
        %dma_start3A_168 = tpu.memref_squeeze %dma_start3A_167 : memref<1x128xi32, #tpu.memory_space<vmem>> -> memref<128xi32, #tpu.memory_space<vmem>>
        %dma_start3A_169 = arith.constant 0 : i32
        %dma_start3A_170 = arith.constant 0 : i32
        %dma_start3A_171 = tpu.memref_slice %arg18[%dma_start3A_169, %dma_start3A_170] : memref<10240x64xf32, #tpu.memory_space<vmem_shared>> -> memref<10240x64xf32, #tpu.memory_space<vmem_shared>>
        tpu.enqueue_indirect_dma source(%arg15 : memref<128x64xf32, #tpu.memory_space<vmem>>) target(%dma_start3A_171 : memref<10240x64xf32, #tpu.memory_space<vmem_shared>>) offsets(%dma_start3A_168 : memref<128xi32, #tpu.memory_space<vmem>>) semaphore(%arg20 : memref<!tpu.dma_semaphore, #tpu.memory_space<semaphore_mem>>) {add = true}
        %ge3A_172 = arith.constant 2 : i32
        %ge3A_173 = arith.cmpi sge, %add3A_158, %ge3A_172 : i32
        %convert_element_type3A_174 = arith.extui %ge3A_173 : i1 to i32
        %cond3A_175 = arith.constant 0 : i32
        %cond3A_176 = arith.cmpi ne, %convert_element_type3A_174, %cond3A_175 : i32
        scf.if %cond3A_176 {
          %dma_wait3A_214 = arith.constant 0 : i32
          %dma_wait3A_215 = arith.constant 0 : i32
          %dma_wait3A_216 = tpu.memref_slice %arg11[%dma_wait3A_214, %dma_wait3A_215] : memref<160x128xi32, #tpu.memory_space<vmem>> -> memref<1x128xi32, #tpu.memory_space<vmem>>
          %dma_wait3A_217 = tpu.memref_squeeze %dma_wait3A_216 : memref<1x128xi32, #tpu.memory_space<vmem>> -> memref<128xi32, #tpu.memory_space<vmem>>
          %dma_wait3A_218 = arith.constant 0 : i32
          %dma_wait3A_219 = arith.constant 0 : i32
          %dma_wait3A_220 = tpu.memref_slice %arg18[%dma_wait3A_218, %dma_wait3A_219] : memref<10240x64xf32, #tpu.memory_space<vmem_shared>> -> memref<10240x64xf32, #tpu.memory_space<vmem_shared>>
          tpu.wait_indirect_dma semaphore(%arg20 : memref<!tpu.dma_semaphore, #tpu.memory_space<semaphore_mem>>) src(%arg13 : memref<128x64xf32, #tpu.memory_space<vmem>>) dst(%dma_wait3A_220 : memref<10240x64xf32, #tpu.memory_space<vmem_shared>>)
        } else {
        }
        %add3A_177 = arith.constant 3 : i32
        %add3A_178 = arith.addi %add3A_158, %add3A_177 : i32
        %lt3A_179 = arith.constant 160 : i32
        %lt3A_180 = arith.cmpi slt, %add3A_178, %lt3A_179 : i32
        %convert_element_type3A_181 = arith.extui %lt3A_180 : i1 to i32
        %cond3A_182 = arith.constant 0 : i32
        %cond3A_183 = arith.cmpi ne, %convert_element_type3A_181, %cond3A_182 : i32
        scf.if %cond3A_183 {
          %add3A_214 = arith.constant 3 : i32
          %add3A_215 = arith.addi %add3A_158, %add3A_214 : i32
          %dma_start3A_216 = arith.constant 0 : i32
          %dma_start3A_217 = tpu.memref_slice %arg10[%add3A_215, %dma_start3A_216] : memref<160x128xi32, #tpu.memory_space<vmem>> -> memref<1x128xi32, #tpu.memory_space<vmem>>
          %dma_start3A_218 = tpu.memref_squeeze %dma_start3A_217 : memref<1x128xi32, #tpu.memory_space<vmem>> -> memref<128xi32, #tpu.memory_space<vmem>>
          %dma_start3A_219 = arith.constant 0 : i32
          %dma_start3A_220 = arith.constant 0 : i32
          %dma_start3A_221 = tpu.memref_slice %arg9[%dma_start3A_219, %dma_start3A_220] : memref<20480x64xf32, #tpu.memory_space<hbm>> -> memref<20480x64xf32, #tpu.memory_space<hbm>>
          tpu.enqueue_indirect_dma source(%dma_start3A_221 : memref<20480x64xf32, #tpu.memory_space<hbm>>) target(%arg13 : memref<128x64xf32, #tpu.memory_space<vmem>>) offsets(%dma_start3A_218 : memref<128xi32, #tpu.memory_space<vmem>>) semaphore(%arg19 : memref<!tpu.dma_semaphore, #tpu.memory_space<semaphore_mem>>)
        } else {
        }
        %mul3A_184 = arith.constant 5 : i32
        %mul3A_185 = arith.muli %scan3A_72, %mul3A_184 : i32
        %add3A_186 = arith.constant 4 : i32
        %add3A_187 = arith.addi %mul3A_185, %add3A_186 : i32
        %dma_wait3A_188 = arith.constant 0 : i32
        %dma_wait3A_189 = arith.constant 0 : i32
        %dma_wait3A_190 = tpu.memref_slice %arg10[%dma_wait3A_188, %dma_wait3A_189] : memref<160x128xi32, #tpu.memory_space<vmem>> -> memref<1x128xi32, #tpu.memory_space<vmem>>
        %dma_wait3A_191 = tpu.memref_squeeze %dma_wait3A_190 : memref<1x128xi32, #tpu.memory_space<vmem>> -> memref<128xi32, #tpu.memory_space<vmem>>
        %dma_wait3A_192 = arith.constant 0 : i32
        %dma_wait3A_193 = arith.constant 0 : i32
        %dma_wait3A_194 = tpu.memref_slice %arg9[%dma_wait3A_192, %dma_wait3A_193] : memref<20480x64xf32, #tpu.memory_space<hbm>> -> memref<20480x64xf32, #tpu.memory_space<hbm>>
        tpu.wait_indirect_dma semaphore(%arg19 : memref<!tpu.dma_semaphore, #tpu.memory_space<semaphore_mem>>) src(%dma_wait3A_194 : memref<20480x64xf32, #tpu.memory_space<hbm>>) dst(%arg16 : memref<128x64xf32, #tpu.memory_space<vmem>>)
        %dma_start3A_195 = arith.constant 0 : i32
        %dma_start3A_196 = tpu.memref_slice %arg11[%add3A_187, %dma_start3A_195] : memref<160x128xi32, #tpu.memory_space<vmem>> -> memref<1x128xi32, #tpu.memory_space<vmem>>
        %dma_start3A_197 = tpu.memref_squeeze %dma_start3A_196 : memref<1x128xi32, #tpu.memory_space<vmem>> -> memref<128xi32, #tpu.memory_space<vmem>>
        %dma_start3A_198 = arith.constant 0 : i32
        %dma_start3A_199 = arith.constant 0 : i32
        %dma_start3A_200 = tpu.memref_slice %arg18[%dma_start3A_198, %dma_start3A_199] : memref<10240x64xf32, #tpu.memory_space<vmem_shared>> -> memref<10240x64xf32, #tpu.memory_space<vmem_shared>>
        tpu.enqueue_indirect_dma source(%arg16 : memref<128x64xf32, #tpu.memory_space<vmem>>) target(%dma_start3A_200 : memref<10240x64xf32, #tpu.memory_space<vmem_shared>>) offsets(%dma_start3A_197 : memref<128xi32, #tpu.memory_space<vmem>>) semaphore(%arg20 : memref<!tpu.dma_semaphore, #tpu.memory_space<semaphore_mem>>) {add = true}
        %ge3A_201 = arith.constant 2 : i32
        %ge3A_202 = arith.cmpi sge, %add3A_187, %ge3A_201 : i32
        %convert_element_type3A_203 = arith.extui %ge3A_202 : i1 to i32
        %cond3A_204 = arith.constant 0 : i32
        %cond3A_205 = arith.cmpi ne, %convert_element_type3A_203, %cond3A_204 : i32
        scf.if %cond3A_205 {
          %dma_wait3A_214 = arith.constant 0 : i32
          %dma_wait3A_215 = arith.constant 0 : i32
          %dma_wait3A_216 = tpu.memref_slice %arg11[%dma_wait3A_214, %dma_wait3A_215] : memref<160x128xi32, #tpu.memory_space<vmem>> -> memref<1x128xi32, #tpu.memory_space<vmem>>
          %dma_wait3A_217 = tpu.memref_squeeze %dma_wait3A_216 : memref<1x128xi32, #tpu.memory_space<vmem>> -> memref<128xi32, #tpu.memory_space<vmem>>
          %dma_wait3A_218 = arith.constant 0 : i32
          %dma_wait3A_219 = arith.constant 0 : i32
          %dma_wait3A_220 = tpu.memref_slice %arg18[%dma_wait3A_218, %dma_wait3A_219] : memref<10240x64xf32, #tpu.memory_space<vmem_shared>> -> memref<10240x64xf32, #tpu.memory_space<vmem_shared>>
          tpu.wait_indirect_dma semaphore(%arg20 : memref<!tpu.dma_semaphore, #tpu.memory_space<semaphore_mem>>) src(%arg14 : memref<128x64xf32, #tpu.memory_space<vmem>>) dst(%dma_wait3A_220 : memref<10240x64xf32, #tpu.memory_space<vmem_shared>>)
        } else {
        }
        %add3A_206 = arith.constant 3 : i32
        %add3A_207 = arith.addi %add3A_187, %add3A_206 : i32
        %lt3A_208 = arith.constant 160 : i32
        %lt3A_209 = arith.cmpi slt, %add3A_207, %lt3A_208 : i32
        %convert_element_type3A_210 = arith.extui %lt3A_209 : i1 to i32
        %cond3A_211 = arith.constant 0 : i32
        %cond3A_212 = arith.cmpi ne, %convert_element_type3A_210, %cond3A_211 : i32
        scf.if %cond3A_212 {
          %add3A_214 = arith.constant 3 : i32
          %add3A_215 = arith.addi %add3A_187, %add3A_214 : i32
          %dma_start3A_216 = arith.constant 0 : i32
          %dma_start3A_217 = tpu.memref_slice %arg10[%add3A_215, %dma_start3A_216] : memref<160x128xi32, #tpu.memory_space<vmem>> -> memref<1x128xi32, #tpu.memory_space<vmem>>
          %dma_start3A_218 = tpu.memref_squeeze %dma_start3A_217 : memref<1x128xi32, #tpu.memory_space<vmem>> -> memref<128xi32, #tpu.memory_space<vmem>>
          %dma_start3A_219 = arith.constant 0 : i32
          %dma_start3A_220 = arith.constant 0 : i32
          %dma_start3A_221 = tpu.memref_slice %arg9[%dma_start3A_219, %dma_start3A_220] : memref<20480x64xf32, #tpu.memory_space<hbm>> -> memref<20480x64xf32, #tpu.memory_space<hbm>>
          tpu.enqueue_indirect_dma source(%dma_start3A_221 : memref<20480x64xf32, #tpu.memory_space<hbm>>) target(%arg14 : memref<128x64xf32, #tpu.memory_space<vmem>>) offsets(%dma_start3A_218 : memref<128xi32, #tpu.memory_space<vmem>>) semaphore(%arg19 : memref<!tpu.dma_semaphore, #tpu.memory_space<semaphore_mem>>)
        } else {
        }
        %scan3A_213 = arith.constant 0 : i32
        scf.yield %scan3A_213 : i32
      }
      %scan3A_48 = arith.constant 32 : i32
      %dma_wait3A = arith.constant 0 : i32
      %dma_wait3A_49 = arith.constant 0 : i32
      %dma_wait3A_50 = tpu.memref_slice %arg11[%dma_wait3A, %dma_wait3A_49] : memref<160x128xi32, #tpu.memory_space<vmem>> -> memref<1x128xi32, #tpu.memory_space<vmem>>
      %dma_wait3A_51 = tpu.memref_squeeze %dma_wait3A_50 : memref<1x128xi32, #tpu.memory_space<vmem>> -> memref<128xi32, #tpu.memory_space<vmem>>
      %dma_wait3A_52 = arith.constant 0 : i32
      %dma_wait3A_53 = arith.constant 0 : i32
      %dma_wait3A_54 = tpu.memref_slice %arg18[%dma_wait3A_52, %dma_wait3A_53] : memref<10240x64xf32, #tpu.memory_space<vmem_shared>> -> memref<10240x64xf32, #tpu.memory_space<vmem_shared>>
      tpu.wait_indirect_dma semaphore(%arg20 : memref<!tpu.dma_semaphore, #tpu.memory_space<semaphore_mem>>) src(%arg15 : memref<128x64xf32, #tpu.memory_space<vmem>>) dst(%dma_wait3A_54 : memref<10240x64xf32, #tpu.memory_space<vmem_shared>>)
      %dma_wait3A_55 = arith.constant 0 : i32
      %dma_wait3A_56 = arith.constant 0 : i32
      %dma_wait3A_57 = tpu.memref_slice %arg11[%dma_wait3A_55, %dma_wait3A_56] : memref<160x128xi32, #tpu.memory_space<vmem>> -> memref<1x128xi32, #tpu.memory_space<vmem>>
      %dma_wait3A_58 = tpu.memref_squeeze %dma_wait3A_57 : memref<1x128xi32, #tpu.memory_space<vmem>> -> memref<128xi32, #tpu.memory_space<vmem>>
      %dma_wait3A_59 = arith.constant 0 : i32
      %dma_wait3A_60 = arith.constant 0 : i32
      %dma_wait3A_61 = tpu.memref_slice %arg18[%dma_wait3A_59, %dma_wait3A_60] : memref<10240x64xf32, #tpu.memory_space<vmem_shared>> -> memref<10240x64xf32, #tpu.memory_space<vmem_shared>>
      tpu.wait_indirect_dma semaphore(%arg20 : memref<!tpu.dma_semaphore, #tpu.memory_space<semaphore_mem>>) src(%arg16 : memref<128x64xf32, #tpu.memory_space<vmem>>) dst(%dma_wait3A_61 : memref<10240x64xf32, #tpu.memory_space<vmem_shared>>)
      %barrier3A_62 = arith.constant 0 : index
      tpu.barrier barrier_id(%barrier3A_62)
      %scan3A_63 = arith.constant 0 : i32
      %scan3A_64 = arith.constant 0 : i32
      %scan3A_65 = arith.constant 5 : i32
      %scan3A_66 = arith.addi %scan3A_64, %scan3A_65 : i32
      %scan3A_67 = arith.constant 1 : i32
      %scan3A_68 = scf.for %scan3A_72 = %scan3A_64 to %scan3A_66 step %scan3A_67 iter_args(%scan3A_73 = %scan3A_63) -> (i32)  : i32 {
        %mul3A = arith.constant 640 : i32
        %mul3A_74 = arith.muli %arg1, %mul3A : i32
        %mul3A_75 = arith.constant 128 : i32
        %mul3A_76 = arith.muli %scan3A_72, %mul3A_75 : i32
        %add3A = arith.addi %mul3A_74, %mul3A_76 : i32
        %mul3A_77 = arith.constant 10240 : i32
        %mul3A_78 = arith.muli %arg0, %mul3A_77 : i32
        %add3A_79 = arith.addi %mul3A_78, %add3A : i32
        "tpu.region"() ({
          %run_scoped3A = tpu.sem_alloc : memref<!tpu.dma_semaphore, #tpu.memory_space<semaphore_mem>>
          %dma_start3A_104 = arith.constant 0 : i32
          %dma_start3A_105 = tpu.memref_slice %arg18[%add3A, %dma_start3A_104] : memref<10240x64xf32, #tpu.memory_space<vmem_shared>> -> memref<128x64xf32, #tpu.memory_space<vmem_shared>>
          %dma_start3A_106 = arith.constant 0 : i32
          %dma_start3A_107 = tpu.memref_slice %arg18[%add3A, %dma_start3A_106] : memref<10240x64xf32, #tpu.memory_space<vmem_shared>> -> memref<128x64xf32, #tpu.memory_space<vmem_shared>>
          tpu.enqueue_dma source(%dma_start3A_107 : memref<128x64xf32, #tpu.memory_space<vmem_shared>>) target(%arg12 : memref<128x64xf32, #tpu.memory_space<vmem>>) target_semaphore(%run_scoped3A : memref<!tpu.dma_semaphore, #tpu.memory_space<semaphore_mem>>)
          %dma_wait3A_108 = arith.constant 0 : i32
          %dma_wait3A_109 = tpu.memref_slice %arg18[%add3A, %dma_wait3A_108] : memref<10240x64xf32, #tpu.memory_space<vmem_shared>> -> memref<128x64xf32, #tpu.memory_space<vmem_shared>>
          %dma_wait3A_110 = arith.constant 0 : i32
          %dma_wait3A_111 = tpu.memref_slice %arg18[%add3A, %dma_wait3A_110] : memref<10240x64xf32, #tpu.memory_space<vmem_shared>> -> memref<128x64xf32, #tpu.memory_space<vmem_shared>>
          tpu.wait_dma2 semaphore(%run_scoped3A : memref<!tpu.dma_semaphore, #tpu.memory_space<semaphore_mem>>) src(%dma_wait3A_111 : memref<128x64xf32, #tpu.memory_space<vmem_shared>>) dst(%arg12 : memref<128x64xf32, #tpu.memory_space<vmem>>)
          tpu.yield
        }) : () -> ()
        %lt3A = arith.constant 39 : i32
        %lt3A_80 = arith.cmpi slt, %scan3A_20, %lt3A : i32
        %convert_element_type3A = arith.extui %lt3A_80 : i1 to i32
        %cond3A = arith.constant 0 : i32
        %cond3A_81 = arith.cmpi ne, %convert_element_type3A, %cond3A : i32
        scf.if %cond3A_81 {
          "tpu.region"() ({
            %run_scoped3A = tpu.sem_alloc : memref<!tpu.dma_semaphore, #tpu.memory_space<semaphore_mem>>
            %dma_start3A_104 = arith.constant 0 : i32
            %dma_start3A_105 = tpu.memref_slice %arg5[%add3A_79, %dma_start3A_104] : memref<20480x64xf32, #tpu.memory_space<hbm>> -> memref<128x64xf32, #tpu.memory_space<hbm>>
            %dma_start3A_106 = arith.constant 0 : i32
            %dma_start3A_107 = tpu.memref_slice %arg5[%add3A_79, %dma_start3A_106] : memref<20480x64xf32, #tpu.memory_space<hbm>> -> memref<128x64xf32, #tpu.memory_space<hbm>>
            tpu.enqueue_dma source(%dma_start3A_107 : memref<128x64xf32, #tpu.memory_space<hbm>>) target(%arg13 : memref<128x64xf32, #tpu.memory_space<vmem>>) target_semaphore(%run_scoped3A : memref<!tpu.dma_semaphore, #tpu.memory_space<semaphore_mem>>)
            %dma_wait3A_108 = arith.constant 0 : i32
            %dma_wait3A_109 = tpu.memref_slice %arg5[%add3A_79, %dma_wait3A_108] : memref<20480x64xf32, #tpu.memory_space<hbm>> -> memref<128x64xf32, #tpu.memory_space<hbm>>
            %dma_wait3A_110 = arith.constant 0 : i32
            %dma_wait3A_111 = tpu.memref_slice %arg5[%add3A_79, %dma_wait3A_110] : memref<20480x64xf32, #tpu.memory_space<hbm>> -> memref<128x64xf32, #tpu.memory_space<hbm>>
            tpu.wait_dma2 semaphore(%run_scoped3A : memref<!tpu.dma_semaphore, #tpu.memory_space<semaphore_mem>>) src(%dma_wait3A_111 : memref<128x64xf32, #tpu.memory_space<hbm>>) dst(%arg13 : memref<128x64xf32, #tpu.memory_space<vmem>>)
            tpu.yield
          }) : () -> ()
          "tpu.region"() ({
            %run_scoped3A = tpu.sem_alloc : memref<!tpu.dma_semaphore, #tpu.memory_space<semaphore_mem>>
            %dma_start3A_104 = arith.constant 0 : i32
            %dma_start3A_105 = tpu.memref_slice %arg4[%add3A_79, %dma_start3A_104] : memref<20480x64xf32, #tpu.memory_space<hbm>> -> memref<128x64xf32, #tpu.memory_space<hbm>>
            %dma_start3A_106 = arith.constant 0 : i32
            %dma_start3A_107 = tpu.memref_slice %arg4[%add3A_79, %dma_start3A_106] : memref<20480x64xf32, #tpu.memory_space<hbm>> -> memref<128x64xf32, #tpu.memory_space<hbm>>
            tpu.enqueue_dma source(%dma_start3A_107 : memref<128x64xf32, #tpu.memory_space<hbm>>) target(%arg14 : memref<128x64xf32, #tpu.memory_space<vmem>>) target_semaphore(%run_scoped3A : memref<!tpu.dma_semaphore, #tpu.memory_space<semaphore_mem>>)
            %dma_wait3A_108 = arith.constant 0 : i32
            %dma_wait3A_109 = tpu.memref_slice %arg4[%add3A_79, %dma_wait3A_108] : memref<20480x64xf32, #tpu.memory_space<hbm>> -> memref<128x64xf32, #tpu.memory_space<hbm>>
            %dma_wait3A_110 = arith.constant 0 : i32
            %dma_wait3A_111 = tpu.memref_slice %arg4[%add3A_79, %dma_wait3A_110] : memref<20480x64xf32, #tpu.memory_space<hbm>> -> memref<128x64xf32, #tpu.memory_space<hbm>>
            tpu.wait_dma2 semaphore(%run_scoped3A : memref<!tpu.dma_semaphore, #tpu.memory_space<semaphore_mem>>) src(%dma_wait3A_111 : memref<128x64xf32, #tpu.memory_space<hbm>>) dst(%arg14 : memref<128x64xf32, #tpu.memory_space<vmem>>)
            tpu.yield
          }) : () -> ()
        } else {
        }
        %eq3A = arith.constant 39 : i32
        %eq3A_82 = arith.cmpi eq, %scan3A_20, %eq3A : i32
        %convert_element_type3A_83 = arith.extui %eq3A_82 : i1 to i32
        %cond3A_84 = arith.constant 0 : i32
        %cond3A_85 = arith.cmpi ne, %convert_element_type3A_83, %cond3A_84 : i32
        scf.if %cond3A_85 {
          "tpu.region"() ({
            %run_scoped3A = tpu.sem_alloc : memref<!tpu.dma_semaphore, #tpu.memory_space<semaphore_mem>>
            %dma_start3A_104 = arith.constant 0 : i32
            %dma_start3A_105 = tpu.memref_slice %arg7[%add3A_79, %dma_start3A_104] : memref<20480x64xf32, #tpu.memory_space<hbm>> -> memref<128x64xf32, #tpu.memory_space<hbm>>
            %dma_start3A_106 = arith.constant 0 : i32
            %dma_start3A_107 = tpu.memref_slice %arg7[%add3A_79, %dma_start3A_106] : memref<20480x64xf32, #tpu.memory_space<hbm>> -> memref<128x64xf32, #tpu.memory_space<hbm>>
            tpu.enqueue_dma source(%dma_start3A_107 : memref<128x64xf32, #tpu.memory_space<hbm>>) target(%arg13 : memref<128x64xf32, #tpu.memory_space<vmem>>) target_semaphore(%run_scoped3A : memref<!tpu.dma_semaphore, #tpu.memory_space<semaphore_mem>>)
            %dma_wait3A_108 = arith.constant 0 : i32
            %dma_wait3A_109 = tpu.memref_slice %arg7[%add3A_79, %dma_wait3A_108] : memref<20480x64xf32, #tpu.memory_space<hbm>> -> memref<128x64xf32, #tpu.memory_space<hbm>>
            %dma_wait3A_110 = arith.constant 0 : i32
            %dma_wait3A_111 = tpu.memref_slice %arg7[%add3A_79, %dma_wait3A_110] : memref<20480x64xf32, #tpu.memory_space<hbm>> -> memref<128x64xf32, #tpu.memory_space<hbm>>
            tpu.wait_dma2 semaphore(%run_scoped3A : memref<!tpu.dma_semaphore, #tpu.memory_space<semaphore_mem>>) src(%dma_wait3A_111 : memref<128x64xf32, #tpu.memory_space<hbm>>) dst(%arg13 : memref<128x64xf32, #tpu.memory_space<vmem>>)
            tpu.yield
          }) : () -> ()
          "tpu.region"() ({
            %run_scoped3A = tpu.sem_alloc : memref<!tpu.dma_semaphore, #tpu.memory_space<semaphore_mem>>
            %dma_start3A_104 = arith.constant 0 : i32
            %dma_start3A_105 = tpu.memref_slice %arg6[%add3A_79, %dma_start3A_104] : memref<20480x64xf32, #tpu.memory_space<hbm>> -> memref<128x64xf32, #tpu.memory_space<hbm>>
            %dma_start3A_106 = arith.constant 0 : i32
            %dma_start3A_107 = tpu.memref_slice %arg6[%add3A_79, %dma_start3A_106] : memref<20480x64xf32, #tpu.memory_space<hbm>> -> memref<128x64xf32, #tpu.memory_space<hbm>>
            tpu.enqueue_dma source(%dma_start3A_107 : memref<128x64xf32, #tpu.memory_space<hbm>>) target(%arg14 : memref<128x64xf32, #tpu.memory_space<vmem>>) target_semaphore(%run_scoped3A : memref<!tpu.dma_semaphore, #tpu.memory_space<semaphore_mem>>)
            %dma_wait3A_108 = arith.constant 0 : i32
            %dma_wait3A_109 = tpu.memref_slice %arg6[%add3A_79, %dma_wait3A_108] : memref<20480x64xf32, #tpu.memory_space<hbm>> -> memref<128x64xf32, #tpu.memory_space<hbm>>
            %dma_wait3A_110 = arith.constant 0 : i32
            %dma_wait3A_111 = tpu.memref_slice %arg6[%add3A_79, %dma_wait3A_110] : memref<20480x64xf32, #tpu.memory_space<hbm>> -> memref<128x64xf32, #tpu.memory_space<hbm>>
            tpu.wait_dma2 semaphore(%run_scoped3A : memref<!tpu.dma_semaphore, #tpu.memory_space<semaphore_mem>>) src(%dma_wait3A_111 : memref<128x64xf32, #tpu.memory_space<hbm>>) dst(%arg14 : memref<128x64xf32, #tpu.memory_space<vmem>>)
            tpu.yield
          }) : () -> ()
        } else {
        }
        %scan3A_86 = arith.constant 0 : i32
        %scan3A_87 = arith.constant 0 : i32
        %scan3A_88 = arith.constant 128 : i32
        %scan3A_89 = arith.addi %scan3A_87, %scan3A_88 : i32
        %scan3A_90 = arith.constant 1 : i32
        %scan3A_91 = scf.for %scan3A_104 = %scan3A_87 to %scan3A_89 step %scan3A_90 iter_args(%scan3A_105 = %scan3A_86) -> (i32)  : i32 {
          %get3A = arith.index_cast %scan3A_104 : i32 to index
          %get3A_106 = arith.constant 0 : index
          %get3A_107 = tpu.vector_load %arg12[%get3A, %get3A_106] {strides = array<i32>} : memref<128x64xf32, #tpu.memory_space<vmem>>, vector<1x16xf32>,
          %get3A_108 = vector.shape_cast %get3A_107 : vector<1x16xf32> to vector<16xf32>
          %get3A_109 = arith.index_cast %scan3A_104 : i32 to index
          %get3A_110 = arith.constant 0 : index
          %get3A_111 = tpu.vector_load %arg13[%get3A_109, %get3A_110] {strides = array<i32>} : memref<128x64xf32, #tpu.memory_space<vmem>>, vector<1x16xf32>,
          %get3A_112 = vector.shape_cast %get3A_111 : vector<1x16xf32> to vector<16xf32>
          %mul3A_113 = arith.mulf %get3A_108, %get3A_112 : vector<16xf32>
          %get3A_114 = arith.index_cast %scan3A_104 : i32 to index
          %get3A_115 = arith.constant 0 : index
          %get3A_116 = tpu.vector_load %arg14[%get3A_114, %get3A_115] {strides = array<i32>} : memref<128x64xf32, #tpu.memory_space<vmem>>, vector<1x16xf32>,
          %get3A_117 = vector.shape_cast %get3A_116 : vector<1x16xf32> to vector<16xf32>
          %add3A_118 = arith.addf %mul3A_113, %get3A_117 : vector<16xf32>
          %swap3A = arith.index_cast %scan3A_104 : i32 to index
          %swap3A_119 = arith.constant 0 : index
          %swap3A_120 = tpu.vector_load %arg12[%swap3A, %swap3A_119] {strides = array<i32>} : memref<128x64xf32, #tpu.memory_space<vmem>>, vector<1x16xf32>,
          %swap3A_121 = vector.shape_cast %swap3A_120 : vector<1x16xf32> to vector<16xf32>
          %swap3A_122 = vector.shape_cast %add3A_118 : vector<16xf32> to vector<1x16xf32>
          tpu.vector_store %arg12[%swap3A, %swap3A_119], %swap3A_122 {strides = array<i32>} : memref<128x64xf32, #tpu.memory_space<vmem>>, vector<1x16xf32>,
          %get3A_123 = arith.index_cast %scan3A_104 : i32 to index
          %get3A_124 = arith.constant 16 : index
          %get3A_125 = tpu.vector_load %arg12[%get3A_123, %get3A_124] {strides = array<i32>} : memref<128x64xf32, #tpu.memory_space<vmem>>, vector<1x16xf32>,
          %get3A_126 = vector.shape_cast %get3A_125 : vector<1x16xf32> to vector<16xf32>
          %get3A_127 = arith.index_cast %scan3A_104 : i32 to index
          %get3A_128 = arith.constant 16 : index
          %get3A_129 = tpu.vector_load %arg13[%get3A_127, %get3A_128] {strides = array<i32>} : memref<128x64xf32, #tpu.memory_space<vmem>>, vector<1x16xf32>,
          %get3A_130 = vector.shape_cast %get3A_129 : vector<1x16xf32> to vector<16xf32>
          %mul3A_131 = arith.mulf %get3A_126, %get3A_130 : vector<16xf32>
          %get3A_132 = arith.index_cast %scan3A_104 : i32 to index
          %get3A_133 = arith.constant 16 : index
          %get3A_134 = tpu.vector_load %arg14[%get3A_132, %get3A_133] {strides = array<i32>} : memref<128x64xf32, #tpu.memory_space<vmem>>, vector<1x16xf32>,
          %get3A_135 = vector.shape_cast %get3A_134 : vector<1x16xf32> to vector<16xf32>
          %add3A_136 = arith.addf %mul3A_131, %get3A_135 : vector<16xf32>
          %swap3A_137 = arith.index_cast %scan3A_104 : i32 to index
          %swap3A_138 = arith.constant 16 : index
          %swap3A_139 = tpu.vector_load %arg12[%swap3A_137, %swap3A_138] {strides = array<i32>} : memref<128x64xf32, #tpu.memory_space<vmem>>, vector<1x16xf32>,
          %swap3A_140 = vector.shape_cast %swap3A_139 : vector<1x16xf32> to vector<16xf32>
          %swap3A_141 = vector.shape_cast %add3A_136 : vector<16xf32> to vector<1x16xf32>
          tpu.vector_store %arg12[%swap3A_137, %swap3A_138], %swap3A_141 {strides = array<i32>} : memref<128x64xf32, #tpu.memory_space<vmem>>, vector<1x16xf32>,
          %get3A_142 = arith.index_cast %scan3A_104 : i32 to index
          %get3A_143 = arith.constant 32 : index
          %get3A_144 = tpu.vector_load %arg12[%get3A_142, %get3A_143] {strides = array<i32>} : memref<128x64xf32, #tpu.memory_space<vmem>>, vector<1x16xf32>,
          %get3A_145 = vector.shape_cast %get3A_144 : vector<1x16xf32> to vector<16xf32>
          %get3A_146 = arith.index_cast %scan3A_104 : i32 to index
          %get3A_147 = arith.constant 32 : index
          %get3A_148 = tpu.vector_load %arg13[%get3A_146, %get3A_147] {strides = array<i32>} : memref<128x64xf32, #tpu.memory_space<vmem>>, vector<1x16xf32>,
          %get3A_149 = vector.shape_cast %get3A_148 : vector<1x16xf32> to vector<16xf32>
          %mul3A_150 = arith.mulf %get3A_145, %get3A_149 : vector<16xf32>
          %get3A_151 = arith.index_cast %scan3A_104 : i32 to index
          %get3A_152 = arith.constant 32 : index
          %get3A_153 = tpu.vector_load %arg14[%get3A_151, %get3A_152] {strides = array<i32>} : memref<128x64xf32, #tpu.memory_space<vmem>>, vector<1x16xf32>,
          %get3A_154 = vector.shape_cast %get3A_153 : vector<1x16xf32> to vector<16xf32>
          %add3A_155 = arith.addf %mul3A_150, %get3A_154 : vector<16xf32>
          %swap3A_156 = arith.index_cast %scan3A_104 : i32 to index
          %swap3A_157 = arith.constant 32 : index
          %swap3A_158 = tpu.vector_load %arg12[%swap3A_156, %swap3A_157] {strides = array<i32>} : memref<128x64xf32, #tpu.memory_space<vmem>>, vector<1x16xf32>,
          %swap3A_159 = vector.shape_cast %swap3A_158 : vector<1x16xf32> to vector<16xf32>
          %swap3A_160 = vector.shape_cast %add3A_155 : vector<16xf32> to vector<1x16xf32>
          tpu.vector_store %arg12[%swap3A_156, %swap3A_157], %swap3A_160 {strides = array<i32>} : memref<128x64xf32, #tpu.memory_space<vmem>>, vector<1x16xf32>,
          %get3A_161 = arith.index_cast %scan3A_104 : i32 to index
          %get3A_162 = arith.constant 48 : index
          %get3A_163 = tpu.vector_load %arg12[%get3A_161, %get3A_162] {strides = array<i32>} : memref<128x64xf32, #tpu.memory_space<vmem>>, vector<1x16xf32>,
          %get3A_164 = vector.shape_cast %get3A_163 : vector<1x16xf32> to vector<16xf32>
          %get3A_165 = arith.index_cast %scan3A_104 : i32 to index
          %get3A_166 = arith.constant 48 : index
          %get3A_167 = tpu.vector_load %arg13[%get3A_165, %get3A_166] {strides = array<i32>} : memref<128x64xf32, #tpu.memory_space<vmem>>, vector<1x16xf32>,
          %get3A_168 = vector.shape_cast %get3A_167 : vector<1x16xf32> to vector<16xf32>
          %mul3A_169 = arith.mulf %get3A_164, %get3A_168 : vector<16xf32>
          %get3A_170 = arith.index_cast %scan3A_104 : i32 to index
          %get3A_171 = arith.constant 48 : index
          %get3A_172 = tpu.vector_load %arg14[%get3A_170, %get3A_171] {strides = array<i32>} : memref<128x64xf32, #tpu.memory_space<vmem>>, vector<1x16xf32>,
          %get3A_173 = vector.shape_cast %get3A_172 : vector<1x16xf32> to vector<16xf32>
          %add3A_174 = arith.addf %mul3A_169, %get3A_173 : vector<16xf32>
          %swap3A_175 = arith.index_cast %scan3A_104 : i32 to index
          %swap3A_176 = arith.constant 48 : index
          %swap3A_177 = tpu.vector_load %arg12[%swap3A_175, %swap3A_176] {strides = array<i32>} : memref<128x64xf32, #tpu.memory_space<vmem>>, vector<1x16xf32>,
          %swap3A_178 = vector.shape_cast %swap3A_177 : vector<1x16xf32> to vector<16xf32>
          %swap3A_179 = vector.shape_cast %add3A_174 : vector<16xf32> to vector<1x16xf32>
          tpu.vector_store %arg12[%swap3A_175, %swap3A_176], %swap3A_179 {strides = array<i32>} : memref<128x64xf32, #tpu.memory_space<vmem>>, vector<1x16xf32>,
          %scan3A_180 = arith.constant 0 : i32
          scf.yield %scan3A_180 : i32
        }
        %scan3A_92 = arith.constant 128 : i32
        %lt3A_93 = arith.constant 39 : i32
        %lt3A_94 = arith.cmpi slt, %scan3A_20, %lt3A_93 : i32
        %convert_element_type3A_95 = arith.extui %lt3A_94 : i1 to i32
        %cond3A_96 = arith.constant 0 : i32
        %cond3A_97 = arith.cmpi ne, %convert_element_type3A_95, %cond3A_96 : i32
        scf.if %cond3A_97 {
          "tpu.region"() ({
            %run_scoped3A = tpu.sem_alloc : memref<!tpu.dma_semaphore, #tpu.memory_space<semaphore_mem>>
            %dma_start3A_104 = arith.constant 0 : i32
            %dma_start3A_105 = tpu.memref_slice %arg9[%add3A_79, %dma_start3A_104] : memref<20480x64xf32, #tpu.memory_space<hbm>> -> memref<128x64xf32, #tpu.memory_space<hbm>>
            %dma_start3A_106 = arith.constant 0 : i32
            %dma_start3A_107 = tpu.memref_slice %arg9[%add3A_79, %dma_start3A_106] : memref<20480x64xf32, #tpu.memory_space<hbm>> -> memref<128x64xf32, #tpu.memory_space<hbm>>
            tpu.enqueue_dma source(%arg12 : memref<128x64xf32, #tpu.memory_space<vmem>>) target(%dma_start3A_107 : memref<128x64xf32, #tpu.memory_space<hbm>>) target_semaphore(%run_scoped3A : memref<!tpu.dma_semaphore, #tpu.memory_space<semaphore_mem>>)
            %dma_wait3A_108 = arith.constant 0 : i32
            %dma_wait3A_109 = tpu.memref_slice %arg9[%add3A_79, %dma_wait3A_108] : memref<20480x64xf32, #tpu.memory_space<hbm>> -> memref<128x64xf32, #tpu.memory_space<hbm>>
            %dma_wait3A_110 = arith.constant 0 : i32
            %dma_wait3A_111 = tpu.memref_slice %arg9[%add3A_79, %dma_wait3A_110] : memref<20480x64xf32, #tpu.memory_space<hbm>> -> memref<128x64xf32, #tpu.memory_space<hbm>>
            tpu.wait_dma2 semaphore(%run_scoped3A : memref<!tpu.dma_semaphore, #tpu.memory_space<semaphore_mem>>) src(%arg12 : memref<128x64xf32, #tpu.memory_space<vmem>>) dst(%dma_wait3A_111 : memref<128x64xf32, #tpu.memory_space<hbm>>)
            tpu.yield
          }) : () -> ()
        } else {
        }
        %eq3A_98 = arith.constant 39 : i32
        %eq3A_99 = arith.cmpi eq, %scan3A_20, %eq3A_98 : i32
        %convert_element_type3A_100 = arith.extui %eq3A_99 : i1 to i32
        %cond3A_101 = arith.constant 0 : i32
        %cond3A_102 = arith.cmpi ne, %convert_element_type3A_100, %cond3A_101 : i32
        scf.if %cond3A_102 {
          "tpu.region"() ({
            %run_scoped3A = tpu.sem_alloc : memref<!tpu.dma_semaphore, #tpu.memory_space<semaphore_mem>>
            %dma_start3A_104 = arith.constant 0 : i32
            %dma_start3A_105 = tpu.memref_slice %arg8[%add3A_79, %dma_start3A_104] : memref<20480x64xf32, #tpu.memory_space<hbm>> -> memref<128x64xf32, #tpu.memory_space<hbm>>
            %dma_start3A_106 = arith.constant 0 : i32
            %dma_start3A_107 = tpu.memref_slice %arg8[%add3A_79, %dma_start3A_106] : memref<20480x64xf32, #tpu.memory_space<hbm>> -> memref<128x64xf32, #tpu.memory_space<hbm>>
            tpu.enqueue_dma source(%arg12 : memref<128x64xf32, #tpu.memory_space<vmem>>) target(%dma_start3A_107 : memref<128x64xf32, #tpu.memory_space<hbm>>) target_semaphore(%run_scoped3A : memref<!tpu.dma_semaphore, #tpu.memory_space<semaphore_mem>>)
            %dma_wait3A_108 = arith.constant 0 : i32
            %dma_wait3A_109 = tpu.memref_slice %arg8[%add3A_79, %dma_wait3A_108] : memref<20480x64xf32, #tpu.memory_space<hbm>> -> memref<128x64xf32, #tpu.memory_space<hbm>>
            %dma_wait3A_110 = arith.constant 0 : i32
            %dma_wait3A_111 = tpu.memref_slice %arg8[%add3A_79, %dma_wait3A_110] : memref<20480x64xf32, #tpu.memory_space<hbm>> -> memref<128x64xf32, #tpu.memory_space<hbm>>
            tpu.wait_dma2 semaphore(%run_scoped3A : memref<!tpu.dma_semaphore, #tpu.memory_space<semaphore_mem>>) src(%arg12 : memref<128x64xf32, #tpu.memory_space<vmem>>) dst(%dma_wait3A_111 : memref<128x64xf32, #tpu.memory_space<hbm>>)
            tpu.yield
          }) : () -> ()
        } else {
        }
        "tpu.region"() ({
          %run_scoped3A = tpu.sem_alloc : memref<!tpu.dma_semaphore, #tpu.memory_space<semaphore_mem>>
          %dma_start3A_104 = arith.constant 0 : i32
          %dma_start3A_105 = tpu.memref_slice %arg18[%add3A, %dma_start3A_104] : memref<10240x64xf32, #tpu.memory_space<vmem_shared>> -> memref<128x64xf32, #tpu.memory_space<vmem_shared>>
          %dma_start3A_106 = arith.constant 0 : i32
          %dma_start3A_107 = tpu.memref_slice %arg18[%add3A, %dma_start3A_106] : memref<10240x64xf32, #tpu.memory_space<vmem_shared>> -> memref<128x64xf32, #tpu.memory_space<vmem_shared>>
          tpu.enqueue_dma source(%arg17 : memref<128x64xf32, #tpu.memory_space<vmem>>) target(%dma_start3A_107 : memref<128x64xf32, #tpu.memory_space<vmem_shared>>) target_semaphore(%run_scoped3A : memref<!tpu.dma_semaphore, #tpu.memory_space<semaphore_mem>>)
          %dma_wait3A_108 = arith.constant 0 : i32
          %dma_wait3A_109 = tpu.memref_slice %arg18[%add3A, %dma_wait3A_108] : memref<10240x64xf32, #tpu.memory_space<vmem_shared>> -> memref<128x64xf32, #tpu.memory_space<vmem_shared>>
          %dma_wait3A_110 = arith.constant 0 : i32
          %dma_wait3A_111 = tpu.memref_slice %arg18[%add3A, %dma_wait3A_110] : memref<10240x64xf32, #tpu.memory_space<vmem_shared>> -> memref<128x64xf32, #tpu.memory_space<vmem_shared>>
          tpu.wait_dma2 semaphore(%run_scoped3A : memref<!tpu.dma_semaphore, #tpu.memory_space<semaphore_mem>>) src(%arg17 : memref<128x64xf32, #tpu.memory_space<vmem>>) dst(%dma_wait3A_111 : memref<128x64xf32, #tpu.memory_space<vmem_shared>>)
          tpu.yield
        }) : () -> ()
        %scan3A_103 = arith.constant 0 : i32
        scf.yield %scan3A_103 : i32
      }
      %scan3A_69 = arith.constant 5 : i32
      %barrier3A_70 = arith.constant 0 : index
      tpu.barrier barrier_id(%barrier3A_70)
      %scan3A_71 = arith.constant 0 : i32
      scf.yield %scan3A_71 : i32
    }
    %scan3A_19 = arith.constant 40 : i32
    return
  }
}

</mosaic_0001>

<sc_bundles>
// kernel: kernel.3.cloned.1.call-start
scs
__scs_entry_jumppad:
0x0: {  	(pc) =	sbr.rel $0x88, $3  }
0x1: {  	(tag) =	ssettag $0x0;
	lr =	simm.s32 $0x1  }
0x2: {  	[smem:$0x3F9E] =	sst lr;
	_ =	strace $0xD0000000  }
0x3: {  	_ = 	snop  }
0x4: {  	_ = 	snop  }
0x5: {  	_ = 	snop  }
0x6: {  	_ = 	snop  }
0x7: {  	_ = 	snop  }
__scs_overlays_trampoline_lowered:
0x8: {  	[smem:$0x3FAD] =	sst s0  }
0x9: {  	[smem:$0x3FAE] =	sst s1  }
0xa: {  	[smem:$0x3FAF] =	sst s2  }
0xb: {  	[smem:$0x3FB0] =	sst s3  }
0xc: {  	[smem:$0x3FB1] =	sst s4  }
0xd: {  	[smem:$0x3FB2] =	sst s5  }
0xe: {  	[smem:$0x3FB3] =	sst s6  }
0xf: {  	[smem:$0x3FB4] =	sst s7  }
0x10: {  	[smem:$0x3FB5] =	sst s8  }
0x11: {  	[smem:$0x3FB6] =	sst s9;
	s0 =	simm.s32 @!p0 $0x0  }
0x12: {  	s1 =	sld [smem:$0x3F9C];
	s0 =	simm.s32 @p0 $0x1  }
0x13: {  	[smem:$0x3FB7] =	sst s0;
	s0 =	simm.s32 @!p1 $0x0  }
0x14: {  	s2 =	sld [smem:$0x3F9B];
	s0 =	simm.s32 @p1 $0x1  }
0x15: {  	[smem:$0x3FB8] =	sst s0;
	s0 =	simm.s32 @!p2 $0x0  }
0x16: {  	s3 =	sld [smem:$0x3FDB];
	s0 =	simm.s32 @p2 $0x1  }
0x17: {  	s4 =	simm.s32 $0x1BF5;
	[smem:$0x3FBA] =	sst s0  }
0x18: {  	s0 =	sld [smem:$0x3F9D];
	_ =	swait.ge [sflag:s4], $0x0  }
0x19: {  	s7 =	sld [smem:$0x3F9E]  }
0x1a: {  	s8 =	sadd.s32 $0xFFFFE003, lr  }
0x1b: {  	s9 =	sadd.s32 $0xFFFFFEF7, lr;
	s5 =	simm.s32 $0xFFFFFFFF;
	p2 =	slt.u32 s8, $0xFFFFF086  }
0x1c: {  	p1 =	slt.u32 s9, $0xF7A;
	s5 =	simm.s32 @!p2 $0x0  }
0x1d: {  	s5 =	simm.s32 @p1 $0x1;
	p0 =	seq.s32 s7, s2  }
0x1e: {  	s7 =	smul.u32 @!p0 $0xF7A, s2;
	p2 =	seq.s32 @!p0 s5, $0x0  }
0x1f: {  	s9 =	smul.u32 $0xF7A, s1;
	s8 =	simm.s32 @!p0 $0x1BF5;
	p2 =	por !p2, p0  }
0x20: {  	[sflag:s8] =	ssyncset.s32 @!p0 $0xFFFFF086;
	s6 =	sadd.s32 @!p0 s3, s7;
	s7 =	simm.s32 @!p0 $0x108  }
0x21: {  	s3 =	sadd.s32 s3, s9;
	s6 =	sadd.s32 @!p0 $0x88, s6;
	s7 =	simm.s32 @p2 $0x1082  }
0x22: {  	[simem:s7], [sflag:s8] =	dma.local @!p0 [hbm:s6], $0xF7A  }
0x23: {  	s9 =	sor.u32 $0xD0000000, s2;
	s6 =	simm.s32 $0x108;
	_ =	swait.ge @!p0 [sflag:s8], $0x0  }
0x24: {  	s3 =	sadd.s32 $0x88, s3;
	s6 =	simm.s32 @!p1 $0x1082;
	[sflag:s4] =	ssyncset.s32 $0xFFFFF086  }
0x25: {  	[simem:s6], [sflag:s4] =	dma.local [hbm:s3], $0xF7A  }
0x26: {  	[smem:$0x3F9E] =	sst s1;
	(tag) =	ssettag s2;
	_ =	strace s9  }
0x27: {  	s1 =	sld [smem:$0x3FAE]  }
0x28: {  	s2 =	sld [smem:$0x3FAF]  }
0x29: {  	s4 =	sld [smem:$0x3FB1]  }
0x2a: {  	p0 =	seq.s32 s5, $0x0;
	s5 =	sld [smem:$0x3FB2]  }
0x2b: {  	s6 =	sld [smem:$0x3FB3]  }
0x2c: {  	s7 =	sld [smem:$0x3FB4]  }
0x2d: {  	s3 =	simm.s32 $0x108;
	s8 =	sld [smem:$0x3FB5]  }
0x2e: {  	s3 =	simm.s32 @!p0 $0x1082;
	s9 =	sld [smem:$0x3FB6]  }
0x2f: {  	lr =	sadd.s32 s0, s3;
	s0 =	sld [smem:$0x3FAD]  }
0x30: {  	s3 =	sld [smem:$0x3FB0]  }
0x31: {  	[smem:$0x3FB9] =	sst s10  }
0x32: {  	s10 =	sld [smem:$0x3FB7];
	_ =	sdelay $0x3  }
0x33: {  	p0 =	seq.s32 s10, $0x1;
	s10 =	sld [smem:$0x3FB9];
	_ =	sdelay $0x3  }
0x34: {  	[smem:$0x3FB9] =	sst s10  }
0x35: {  	s10 =	sld [smem:$0x3FB8];
	_ =	sdelay $0x3  }
0x36: {  	p1 =	seq.s32 s10, $0x1;
	s10 =	sld [smem:$0x3FB9];
	_ =	sdelay $0x3  }
0x37: {  	[smem:$0x3FB9] =	sst s10  }
0x38: {  	s10 =	sld [smem:$0x3FBA]  }
0x39: {  	_ = 	snop;
	(pc) =	sbr.ind lr, $3  }
0x3a: {  	_ = 	snop  }
0x3b: {  	_ = 	snop  }
0x3c: {  	p2 =	seq.s32 s10, $0x1;
	s10 =	sld [smem:$0x3FB9]  }
0x3d: {  	_ =	shalt  }
0x3e: {  	_ =	shalt  }
0x3f: {  	_ =	shalt  }
0x40: {  	_ =	shalt  }
0x41: {  	_ =	shalt  }
0x42: {  	_ =	shalt  }
0x43: {  	_ =	shalt  }
0x44: {  	_ =	shalt  }
0x45: {  	_ =	shalt  }
0x46: {  	_ =	shalt  }
0x47: {  	_ =	shalt  }
0x48: {  	_ =	shalt  }
0x49: {  	_ =	shalt  }
0x4a: {  	_ =	shalt  }
0x4b: {  	_ =	shalt  }
0x4c: {  	_ =	shalt  }
0x4d: {  	_ =	shalt  }
0x4e: {  	_ =	shalt  }
0x4f: {  	_ =	shalt  }
0x50: {  	_ =	shalt  }
0x51: {  	_ =	shalt  }
0x52: {  	_ =	shalt  }
0x53: {  	_ =	shalt  }
0x54: {  	_ =	shalt  }
0x55: {  	_ =	shalt  }
0x56: {  	_ =	shalt  }
0x57: {  	_ =	shalt  }
0x58: {  	_ =	shalt  }
0x59: {  	_ =	shalt  }
0x5a: {  	_ =	shalt  }
0x5b: {  	_ =	shalt  }
0x5c: {  	_ =	shalt  }
0x5d: {  	_ =	shalt  }
0x5e: {  	_ =	shalt  }
0x5f: {  	_ =	shalt  }
0x60: {  	_ =	shalt  }
0x61: {  	_ =	shalt  }
0x62: {  	_ =	shalt  }
0x63: {  	_ =	shalt  }
0x64: {  	_ =	shalt  }
0x65: {  	_ =	shalt  }
0x66: {  	_ =	shalt  }
0x67: {  	_ =	shalt  }
0x68: {  	_ =	shalt  }
0x69: {  	_ =	shalt  }
0x6a: {  	_ =	shalt  }
0x6b: {  	_ =	shalt  }
0x6c: {  	_ =	shalt  }
0x6d: {  	_ =	shalt  }
0x6e: {  	_ =	shalt  }
0x6f: {  	_ =	shalt  }
0x70: {  	_ =	shalt  }
0x71: {  	_ =	shalt  }
0x72: {  	_ =	shalt  }
0x73: {  	_ =	shalt  }
0x74: {  	_ =	shalt  }
0x75: {  	_ =	shalt  }
0x76: {  	_ =	shalt  }
0x77: {  	_ =	shalt  }
0x78: {  	_ =	shalt  }
0x79: {  	_ =	shalt  }
0x7a: {  	_ =	shalt  }
0x7b: {  	_ =	shalt  }
0x7c: {  	_ =	shalt  }
0x7d: {  	_ =	shalt  }
0x7e: {  	_ =	shalt  }
0x7f: {  	_ =	shalt  }
0x80: {  	_ =	shalt  }
0x81: {  	_ =	shalt  }
0x82: {  	_ =	shalt  }
0x83: {  	_ =	shalt  }
0x84: {  	_ =	shalt  }
0x85: {  	_ =	shalt  }
0x86: {  	_ =	shalt  }
0x87: {  	_ =	shalt  }
.Lfunc_end0:
.L_simem_size_0:
called_computation.1_lowered:
.L_overlay_start_0:
0x88: {  	s2 =	sld [smem:$0x3FD9]  }
0x89: {  	s3 =	sld [smem:$0x3FFE];
	_ =	sdelay $0x1  }
0x8a: {  	s1 =	srdreg.scid  }
0x8b: {  	s0 =	sand.u32 $0x1, s1  }
0x8c: {  	s16 =	sshll.u32 s0, $0xA;
	s2 =	sadd.s32 s3, s2  }
0x8d: {  	s2 =	sadd.s32 s2, s16  }
0x8e: {  	[smem:$0x3FC5] =	sst s2  }
0x8f: {  	_ = 	snop  }
0x90: {  	(tm) =	ssettm $0x1  }
0x91: {  	s17 =	sld [smem:$0x3FFB];
	_ =	sdelay $0x3  }
0x92: {  	_ =	strace s17  }
0x93: {  	s2 =	sld [smem:$0x3FFC];
	_ =	sdelay $0x3  }
0x94: {  	_ =	strace s2  }
0x95: {  	s2 =	sld [smem:$0x3FFD];
	_ =	sdelay $0x3  }
0x96: {  	_ =	strace s2  }
0x97: {  	_ =	strace $0x8FFFFFFF  }
0x98: {  	s18 =	sld [smem:$0x3FDB];
	_ =	sdelay $0x1  }
0x99: {  	s19 =	simm.s32 $_scs_section_size  }
0x9a: {  	s4 =	simm.s32 $_size__tile_overlayer_lowered;
	s5 =	simm.s32 $_tile_overlayer_lowered  }
0x9b: {  	s22 =	simm.s32 $0x1BFF;
	s21 =	sshll.u32 s5, $0x1;
	s2 =	sadd.s32 s19, s18  }
0x9c: {  	s6 =	simm.s32 $0x0;
	s20 =	sshll.u32 s4, $0x1;
	s4 =	sadd.s32 s21, s2  }
0x9d: {  	[timem:s6], [sflag:s22] =	dma.local [hbm:s4], s20  }
0x9e: {  	_ =	swait.ge [sflag:s22], s20  }
0x9f: {  	s3 =	ssub.s32 $0x0, s20;
	[sflag:s22] =	ssyncset.done $0x0  }
0xa0: {  	[sflag:s22] =	ssyncadd.s32 s3;
	_ =	sdelay $0x1  }
0xa1: {  	s23 =	simm.s32 $0x1B8B  }
0xa2: {  	_ =	swait.ge [sflag:s23], $0x1  }
0xa3: {  	[sflag:s23] =	ssyncset.done $0x0  }
0xa4: {  	s25 =	simm.s32 $0x1B8E;
	s24 =	sld [smem:$0x3FFE];
	[sflag:s23] =	ssyncadd.s32 $0xFFFFFFFF  }
0xa5: {  	s26 =	simm.s32 $execute0_lowered;
	[smem:$0x3FD2] =	sst s25  }
0xa6: {  	s4 =	sshll.u32 s26, $0x1;
	_ =	strace $0x80000049;
	[dreg:$0x1] =	wrdreg $0xFFFFFFFF  }
0xa7: {  	s28 =	simm.s32 $_size_execute0_lowered;
	s2 =	sadd.s32 s2, s4;
	[dreg:$0x0] =	wrdreg $0x0  }
0xa8: {  	s4 =	sshll.u32 s28, $0x1;
	[dreg:$0x2] =	wrdreg s2  }
0xa9: {  	[dreg:$0x3] =	wrdreg s4  }
0xaa: {  	[dreg:$0x4] =	wrdreg $0xC0  }
0xab: {  	_ =	task [dreg:s6], $0x5FFFF  }
0xac: {  	[dreg:$0x1] =	wrdreg $0xFFFFFFFF  }
0xad: {  	[dreg:$0x0] =	wrdreg $0x60  }
0xae: {  	[dreg:$0x2] =	wrdreg s24  }
0xaf: {  	[dreg:$0x3] =	wrdreg $0x160000  }
0xb0: {  	[dreg:$0x4] =	wrdreg $0x9  }
0xb1: {  	_ =	task.clear_ibuf [dreg:s6], $0x5FFFF;
	_ =	strace $0x90000049  }
0xb2: {  	s29 =	simm.s32 $0x9;
	_ =	strace $0x8000004B  }
0xb3: {  	_ =	swait.ge [sflag:s29], $0x1  }
0xb4: {  	[sflag:s29] =	ssyncadd.s32 $0xFFFFFFFF  }
0xb5: {  	_ =	strace $0x9000004B  }
0xb6: {  	_ =	sfence  }
0xb7: {  	s30 =	sld [smem:$0x0];
	_ =	sdelay $0x2  }
0xb8: {  	s31 =	sshll.u32 s1, $0xD;
	s1 =	sshrl.u32 s1, $0x2  }
0xb9: {  	s3 =	sand.u32 $0x4000, s31;
	s1 =	sadd.s32 s1, s30  }
0xba: {  	s0 =	sor.u32 s3, s0;
	s1 =	sshll.u32 s1, $0x11  }
0xbb: {  	s0 =	sor.u32 s1, s0  }
0xbc: {  	s0 =	sadd.s32 $0x8F2B, s0  }
0xbd: {  	[sflag:s0] =	ssyncadd.remote.s32 $0x1  }
0xbe: {  	_ =	sfence.sel $0xFFFF  }
0xbf: {  	[dreg:$0x0] =	wrdreg $0xFFFFFFFF;
	(pc) =	sbr.abs _section_cstart, $3  }
0xc0: {  	[dreg:$0x1] =	wrdreg $0xFFFFFFFF  }
0xc1: {  	_ =	task.clear_ibuf [dreg:s6], $0x2FFFF;
	_ =	strace $0x9FFFFFFF  }
0xc2: {  	(tm) =	ssettm $0x7FFFFFFF  }
0xc3: {  	_ =	shalt  }
tec
execute0_lowered:
.L_overlay_start_1:
0x0: {  	(tag) =	ssettag $0x1  }
0x1: {  	s0 =	srdreg.scid  }
0x2: {  	s13 =	stileid.u32;
	s4 =	rddreg [dreg:$0x0]  }
0x3: {  	s2 =	rddreg [dreg:$0x1];
	s3 =	simm.s32 $0x0;
	s31 =	simm.s32 $0x3  }
0x4: {  	s0 =	sand.u32 $0x1, s0;
	s1 =	smul.u32 $0x5000, s13;
	[smem:$0x7FF] =	sst s3  }
0x5: {  	s21 =	sadd.s32 $0xB4A00, s4;
	s20 =	sadd.s32 $0x8CA00, s4;
	s8 =	smul.u32 $0x280, s13  }
0x6: {  	s6 =	sadd.s32 $0x64A00, s4;
	s7 =	sadd.s32 $0x3CA00, s4;
	s30 =	smul.u32 $0x28000, s13  }
0x7: {  	s9 =	sadd.s32 $0x104A00, s4;
	s11 =	sadd.s32 $0xDCA00, s4;
	s5 =	smul.u32 $0x50000, s0  }
0x8: {  	_ =	strace $0x8000004A;
	s12 =	ssub.s32 $0x2, s0;
	s10 =	smul.u32 $0x2800, s0  }
0x9: {  	s29 =	sshrl.u32 s12, $0x1;
	s13 =	sadd.s32 $0x80, s8;
	s16 =	sadd.s32 $0x100, s8  }
0xa: {  	s23 =	sadd.s32 $0x180, s8;
	s25 =	sadd.s32 $0x200, s8;
	s5 =	sadd.s32 s1, s5  }
0xb: {  	s1 =	sshrl.u32 s1, $0x3;
	s0 =	ssub.s32 s12, s29;
	s15 =	sadd.s32 s10, s13  }
0xc: {  	s18 =	sadd.s32 s10, s16;
	s19 =	sshll.u32 s16, $0x6;
	s24 =	sshll.u32 s23, $0x6  }
0xd: {  	s26 =	sshll.u32 s25, $0x6;
	s16 =	simm.s32 $0xE000;
	s5 =	sshrl.u32 s5, $0x3  }
0xe: {  	s1 =	sadd.s32 s1, s4;
	s0 =	smax.u32 s0, $0x1;
	s29 =	sadd.s32 s26, s2  }
0xf: {  	s5 =	sadd.s32 s5, s4;
	s1 =	sadd.s32 $0x14400, s1;
	[dreg:$0x5] =	wrdreg s0  }
0x10: {  	s4 =	sshrl.u32 s30, $0x2;
	[dreg:$0x12] =	wrdreg s29;
	s5 =	sadd.s32 $0x28A00, s5  }
0x11: {  	[dreg:$0x4] =	wrdreg s1;
	s0 =	sadd.s32 s4, s2;
	s1 =	sshll.u32 s13, $0x6  }
0x12: {  	s13 =	simm.s32 $0x80;
	[dreg:$0x3] =	wrdreg s5;
	s5 =	sadd.s32 s10, s8  }
0x13: {  	[dreg:$0x6] =	wrdreg s0;
	s1 =	sadd.s32 s1, s2;
	s12 =	sshll.u32 s5, $0x3  }
0x14: {  	s4 =	simm.s32 $0x0;
	[dreg:$0x9] =	wrdreg s1;
	s14 =	sadd.s32 s21, s12  }
0x15: {  	s1 =	sshll.u32 s18, $0x3;
	s0 =	sadd.s32 s11, s12;
	[dreg:$0x7] =	wrdreg s14  }
0x16: {  	s22 =	sadd.s32 s21, s1;
	s1 =	sadd.s32 s11, s1;
	[dreg:$0x8] =	wrdreg s0  }
0x17: {  	s12 =	simm.s32 $0xA000;
	s0 =	sshll.u32 s15, $0x3;
	[dreg:$0xd] =	wrdreg s22  }
0x18: {  	[dreg:$0xe] =	wrdreg s1;
	s1 =	sadd.s32 s24, s2;
	s14 =	simm.s32 $0xC000  }
0x19: {  	s17 =	sadd.s32 s21, s0;
	s0 =	sadd.s32 s11, s0;
	[dreg:$0xf] =	wrdreg s1  }
0x1a: {  	s1 =	sadd.s32 s10, s25;
	[dreg:$0xb] =	wrdreg s0;
	s0 =	sadd.s32 s19, s2  }
0x1b: {  	s30 =	sshll.u32 s1, $0x3;
	[dreg:$0xc] =	wrdreg s0;
	s0 =	sadd.s32 s10, s23  }
0x1c: {  	[dreg:$0xa] =	wrdreg s17;
	s1 =	sadd.s32 s21, s30;
	s0 =	sshll.u32 s0, $0x3  }
0x1d: {  	s22 =	simm.s32 $0x12000;
	[dreg:$0x13] =	wrdreg s1;
	s28 =	sadd.s32 s21, s0  }
0x1e: {  	s24 =	simm.s32 $0x2;
	s0 =	sadd.s32 s11, s0;
	[dreg:$0x10] =	wrdreg s28  }
0x1f: {  	s17 =	simm.s32 $0x1;
	[dreg:$0x11] =	wrdreg s0;
	s0 =	sadd.s32 s11, s30  }
0x20: {  	v0 =	vimm.f32 $0.0e+00;
	s19 =	simm.s32 $0x10000;
	[dreg:$0x14] =	wrdreg s0;
	s0 =	simm.s32 $0x14000  }
.LBB2_1:
0x21: {  	[dreg:$0x15] =	wrdreg s4  }
0x22: {  	s1 =	rddreg [dreg:$0x3]  }
0x23: {  	[tilespmem:s3], [sflag:$0x3] =	stream.linear.gather [hbm4b:s1+s3], $0x5000, $0x38;
	v63 =	vld [tilespmem:$0x0]  }
0x24: {  	_ =	swait.ge [sflag:s31], $0x5000  }
0x25: {  	[sflag:s31] =	ssyncset.done $0x0  }
0x26: {  	s30 =	simm.s32 $0x5000;
	s29 =	rddreg [dreg:$0x4];
	[sflag:s31] =	ssyncadd.s32 $0xFFFFB000  }
0x27: {  	[tilespmem:s30], [sflag:$0x3] =	stream.linear.gather [hbm4b:s29+s3], $0x5000, $0x38;
	v63 =	vld [tilespmem:$0x0]  }
0x28: {  	_ =	swait.ge [sflag:s31], $0x5000  }
0x29: {  	[sflag:s31] =	ssyncset.done $0x0  }
0x2a: {  	s4 =	simm.s32 $0x100;
	s1 =	simm.s32 $0x0;
	[sflag:s31] =	ssyncadd.s32 $0xFFFFB000  }
.LBB2_2:
0x2b: {  	p0 =	sne.s32 s4, $0x7F00;
	[tilespmem:s1+$0x14030] =	vst v0;
	s5 =	smov.u32 s4;
	s4 =	sadd.s32 $0x100, s4  }
.Ltmp0:
0x2c: {  	[tilespmem:s1+$0x14020] =	vst v0;
	(pc) =	sbr.rel @p0 .LBB2_2-.Ltmp0, $3  }
0x2d: {  	[tilespmem:s1+$0x14000] =	vst v0  }
0x2e: {  	[tilespmem:s1+$0x14010] =	vst v0;
	_ =	sdelay $0x1  }
0x2f: {  	s1 =	sshra.s32 s5, $0x2  }
0x30: {  	[tilespmem:s1+$0x14030] =	vst v0  }
0x31: {  	[tilespmem:s1+$0x14020] =	vst v0  }
0x32: {  	[tilespmem:s1+$0x14000] =	vst v0  }
0x33: {  	[tilespmem:s1+$0x14010] =	vst v0;
	s23 =	rddreg [dreg:$0x6]  }
0x34: {  	[spmem:s23] =	stream.linear.scatter [tilespmem:s0], [sflag:$0x3], $0x2000, $0x38;
	v63 =	vld [tilespmem:$0x0]  }
0x35: {  	_ =	swait.ge [sflag:s31], $0x2000  }
0x36: {  	[sflag:s31] =	ssyncset.done $0x0  }
0x37: {  	s4 =	simm.s32 $0x0;
	s25 =	rddreg [dreg:$0x7];
	[sflag:s31] =	ssyncadd.s32 $0xFFFFE000  }
0x38: {  	[tilespmem:s12], [sflag:$0x3] =	stream.linear.gather [hbm4b:s25+s4], $0x2000, $0x38;
	v63 =	vld [tilespmem:$0x0]  }
0x39: {  	_ =	swait.ge [sflag:s31], $0x2000  }
0x3a: {  	[sflag:s31] =	ssyncset.done $0x0  }
0x3b: {  	s26 =	rddreg [dreg:$0x8];
	[sflag:s31] =	ssyncadd.s32 $0xFFFFE000  }
0x3c: {  	[hbm4b:s26+s4] =	stream.linear.scatter [tilespmem:s12], [sflag:$0x3], $0x2000, $0x38;
	v63 =	vld [tilespmem:$0x0]  }
0x3d: {  	_ =	swait.ge [sflag:s31], $0x2000  }
0x3e: {  	[sflag:s31] =	ssyncset.done $0x0  }
0x3f: {  	s28 =	rddreg [dreg:$0x9];
	[sflag:s31] =	ssyncadd.s32 $0xFFFFE000  }
0x40: {  	[spmem:s28] =	stream.linear.scatter [tilespmem:s0], [sflag:$0x3], $0x2000, $0x38;
	v63 =	vld [tilespmem:$0x0]  }
0x41: {  	_ =	swait.ge [sflag:s31], $0x2000  }
0x42: {  	[sflag:s31] =	ssyncset.done $0x0  }
0x43: {  	s29 =	rddreg [dreg:$0xa];
	[sflag:s31] =	ssyncadd.s32 $0xFFFFE000  }
0x44: {  	[tilespmem:s12], [sflag:$0x3] =	stream.linear.gather [hbm4b:s29+s4], $0x2000, $0x38;
	v63 =	vld [tilespmem:$0x0]  }
0x45: {  	_ =	swait.ge [sflag:s31], $0x2000  }
0x46: {  	[sflag:s31] =	ssyncset.done $0x0  }
0x47: {  	s30 =	rddreg [dreg:$0xb];
	[sflag:s31] =	ssyncadd.s32 $0xFFFFE000  }
0x48: {  	[hbm4b:s30+s4] =	stream.linear.scatter [tilespmem:s12], [sflag:$0x3], $0x2000, $0x38;
	v63 =	vld [tilespmem:$0x0]  }
0x49: {  	_ =	swait.ge [sflag:s31], $0x2000  }
0x4a: {  	[sflag:s31] =	ssyncset.done $0x0  }
0x4b: {  	s5 =	rddreg [dreg:$0xc];
	[sflag:s31] =	ssyncadd.s32 $0xFFFFE000  }
0x4c: {  	[spmem:s5] =	stream.linear.scatter [tilespmem:s0], [sflag:$0x3], $0x2000, $0x38;
	v63 =	vld [tilespmem:$0x0]  }
0x4d: {  	_ =	swait.ge [sflag:s31], $0x2000  }
0x4e: {  	[sflag:s31] =	ssyncset.done $0x0  }
0x4f: {  	s15 =	rddreg [dreg:$0xd];
	[sflag:s31] =	ssyncadd.s32 $0xFFFFE000  }
0x50: {  	[tilespmem:s12], [sflag:$0x3] =	stream.linear.gather [hbm4b:s15+s4], $0x2000, $0x38;
	v63 =	vld [tilespmem:$0x0]  }
0x51: {  	_ =	swait.ge [sflag:s31], $0x2000  }
0x52: {  	[sflag:s31] =	ssyncset.done $0x0  }
0x53: {  	s18 =	rddreg [dreg:$0xe];
	[sflag:s31] =	ssyncadd.s32 $0xFFFFE000  }
0x54: {  	[hbm4b:s18+s4] =	stream.linear.scatter [tilespmem:s12], [sflag:$0x3], $0x2000, $0x38;
	v63 =	vld [tilespmem:$0x0]  }
0x55: {  	_ =	swait.ge [sflag:s31], $0x2000  }
0x56: {  	[sflag:s31] =	ssyncset.done $0x0  }
0x57: {  	s23 =	rddreg [dreg:$0xf];
	[sflag:s31] =	ssyncadd.s32 $0xFFFFE000  }
0x58: {  	[spmem:s23] =	stream.linear.scatter [tilespmem:s0], [sflag:$0x3], $0x2000, $0x38;
	v63 =	vld [tilespmem:$0x0]  }
0x59: {  	_ =	swait.ge [sflag:s31], $0x2000  }
0x5a: {  	[sflag:s31] =	ssyncset.done $0x0  }
0x5b: {  	s25 =	rddreg [dreg:$0x10];
	[sflag:s31] =	ssyncadd.s32 $0xFFFFE000  }
0x5c: {  	[tilespmem:s12], [sflag:$0x3] =	stream.linear.gather [hbm4b:s25+s4], $0x2000, $0x38;
	v63 =	vld [tilespmem:$0x0]  }
0x5d: {  	_ =	swait.ge [sflag:s31], $0x2000  }
0x5e: {  	[sflag:s31] =	ssyncset.done $0x0  }
0x5f: {  	s26 =	rddreg [dreg:$0x11];
	[sflag:s31] =	ssyncadd.s32 $0xFFFFE000  }
0x60: {  	[hbm4b:s26+s4] =	stream.linear.scatter [tilespmem:s12], [sflag:$0x3], $0x2000, $0x38;
	v63 =	vld [tilespmem:$0x0]  }
0x61: {  	_ =	swait.ge [sflag:s31], $0x2000  }
0x62: {  	[sflag:s31] =	ssyncset.done $0x0  }
0x63: {  	s28 =	rddreg [dreg:$0x12];
	[sflag:s31] =	ssyncadd.s32 $0xFFFFE000  }
0x64: {  	[spmem:s28] =	stream.linear.scatter [tilespmem:s0], [sflag:$0x3], $0x2000, $0x38;
	v63 =	vld [tilespmem:$0x0]  }
0x65: {  	_ =	swait.ge [sflag:s31], $0x2000  }
0x66: {  	[sflag:s31] =	ssyncset.done $0x0  }
0x67: {  	s29 =	rddreg [dreg:$0x13];
	[sflag:s31] =	ssyncadd.s32 $0xFFFFE000  }
0x68: {  	[tilespmem:s12], [sflag:$0x3] =	stream.linear.gather [hbm4b:s29+s4], $0x2000, $0x38;
	v63 =	vld [tilespmem:$0x0]  }
0x69: {  	_ =	swait.ge [sflag:s31], $0x2000  }
0x6a: {  	[sflag:s31] =	ssyncset.done $0x0  }
0x6b: {  	s30 =	rddreg [dreg:$0x14];
	[sflag:s31] =	ssyncadd.s32 $0xFFFFE000  }
0x6c: {  	[hbm4b:s30+s4] =	stream.linear.scatter [tilespmem:s12], [sflag:$0x3], $0x2000, $0x38;
	v63 =	vld [tilespmem:$0x0]  }
0x6d: {  	_ =	swait.ge [sflag:s31], $0x2000  }
0x6e: {  	[sflag:s31] =	ssyncset.done $0x0  }
0x6f: {  	[sflag:s31] =	ssyncadd.s32 $0xFFFFE000  }
0x70: {  	s18 =	simm.s32 $0x0;
	[bflag:$0x0] =	sbarrier.arrive $0xFFFF  }
.LBB2_4:
0x71: {  	s1 =	simm.s32 $0x0  }
0x72: {  	[tilespmem:s12], [sflag:$0x1] =	stream.indirect.gather [hbm4b:s11+s13], $0x40, s1, s13, $0xb8;
	v63 =	vld [tilespmem:$0x0]  }
0x73: {  	_ = 	snop  }
0x74: {  	[tilespmem:s14], [sflag:$0x1] =	stream.indirect.gather [hbm4b:s11+s13], $0x40, s13, s13, $0xb8;
	v63 =	vld [tilespmem:$0x0]  }
0x75: {  	s29 =	simm.s32 $0x100  }
0x76: {  	[tilespmem:s16], [sflag:$0x1] =	stream.indirect.gather [hbm4b:s11+s13], $0x40, s29, s13, $0xb8;
	v63 =	vld [tilespmem:$0x0]  }
0x77: {  	_ =	swait.ge [sflag:s17], $0x2000  }
0x78: {  	[sflag:s17] =	ssyncset.done $0x0  }
0x79: {  	s30 =	simm.s32 $0x5000;
	[sflag:s17] =	ssyncadd.s32 $0xFFFFE000  }
0x7a: {  	[spmem:s2] =	stream.indirect.scatter.add.f32 [tilespmem:s12], [sflag:$0x2], $0x40, s30, s13, $0xb8;
	v63 =	vld [tilespmem:$0x0]  }
0x7b: {  	s4 =	simm.s32 $0x180  }
0x7c: {  	[tilespmem:s19], [sflag:$0x1] =	stream.indirect.gather [hbm4b:s11+s13], $0x40, s4, s13, $0xb8;
	v63 =	vld [tilespmem:$0x0]  }
0x7d: {  	_ =	swait.ge [sflag:s17], $0x2000  }
0x7e: {  	[sflag:s17] =	ssyncset.done $0x0  }
0x7f: {  	s5 =	simm.s32 $0x5080;
	[sflag:s17] =	ssyncadd.s32 $0xFFFFE000  }
0x80: {  	[spmem:s2] =	stream.indirect.scatter.add.f32 [tilespmem:s14], [sflag:$0x2], $0x40, s5, s13, $0xb8;
	v63 =	vld [tilespmem:$0x0]  }
0x81: {  	s15 =	simm.s32 $0x200  }
0x82: {  	[tilespmem:s22], [sflag:$0x1] =	stream.indirect.gather [hbm4b:s11+s13], $0x40, s15, s13, $0xb8;
	v63 =	vld [tilespmem:$0x0]  }
0x83: {  	_ =	swait.ge [sflag:s17], $0x2000  }
0x84: {  	[sflag:s17] =	ssyncset.done $0x0  }
0x85: {  	s23 =	simm.s32 $0x5100;
	[sflag:s17] =	ssyncadd.s32 $0xFFFFE000  }
0x86: {  	[spmem:s2] =	stream.indirect.scatter.add.f32 [tilespmem:s16], [sflag:$0x2], $0x40, s23, s13, $0xb8;
	v63 =	vld [tilespmem:$0x0]  }
0x87: {  	_ =	swait.ge [sflag:s24], $0x2000  }
0x88: {  	[sflag:s24] =	ssyncset.done $0x0  }
0x89: {  	s25 =	simm.s32 $0x280;
	[sflag:s24] =	ssyncadd.s32 $0xFFFFE000  }
0x8a: {  	[tilespmem:s12], [sflag:$0x1] =	stream.indirect.gather [hbm4b:s11+s13], $0x40, s25, s13, $0xb8;
	v63 =	vld [tilespmem:$0x0]  }
0x8b: {  	_ =	swait.ge [sflag:s17], $0x2000  }
0x8c: {  	[sflag:s17] =	ssyncset.done $0x0  }
0x8d: {  	s26 =	simm.s32 $0x5180;
	[sflag:s17] =	ssyncadd.s32 $0xFFFFE000  }
0x8e: {  	[spmem:s2] =	stream.indirect.scatter.add.f32 [tilespmem:s19], [sflag:$0x2], $0x40, s26, s13, $0xb8;
	v63 =	vld [tilespmem:$0x0]  }
0x8f: {  	_ =	swait.ge [sflag:s24], $0x2000  }
0x90: {  	[sflag:s24] =	ssyncset.done $0x0  }
0x91: {  	s28 =	simm.s32 $0x300;
	[sflag:s24] =	ssyncadd.s32 $0xFFFFE000  }
0x92: {  	[tilespmem:s14], [sflag:$0x1] =	stream.indirect.gather [hbm4b:s11+s13], $0x40, s28, s13, $0xb8;
	v63 =	vld [tilespmem:$0x0]  }
0x93: {  	_ =	swait.ge [sflag:s17], $0x2000  }
0x94: {  	[sflag:s17] =	ssyncset.done $0x0  }
0x95: {  	s29 =	simm.s32 $0x5200;
	[sflag:s17] =	ssyncadd.s32 $0xFFFFE000  }
0x96: {  	[spmem:s2] =	stream.indirect.scatter.add.f32 [tilespmem:s22], [sflag:$0x2], $0x40, s29, s13, $0xb8;
	v63 =	vld [tilespmem:$0x0]  }
0x97: {  	_ =	swait.ge [sflag:s24], $0x2000  }
0x98: {  	[sflag:s24] =	ssyncset.done $0x0  }
0x99: {  	s1 =	simm.s32 $0x0;
	s30 =	simm.s32 $0x380;
	[sflag:s24] =	ssyncadd.s32 $0xFFFFE000  }
0x9a: {  	[tilespmem:s16], [sflag:$0x1] =	stream.indirect.gather [hbm4b:s11+s13], $0x40, s30, s13, $0xb8;
	v63 =	vld [tilespmem:$0x0]  }
.LBB2_5:
0x9b: {  	_ =	swait.ge [sflag:s17], $0x2000  }
0x9c: {  	s4 =	sshra.s32 s1, $0x2;
	[sflag:s17] =	ssyncset.done $0x0  }
0x9d: {  	s5 =	sadd.s32 $0x5280, s4;
	[sflag:s17] =	ssyncadd.s32 $0xFFFFE000  }
0x9e: {  	[spmem:s2] =	stream.indirect.scatter.add.f32 [tilespmem:s12], [sflag:$0x2], $0x40, s5, s13, $0xb8;
	v63 =	vld [tilespmem:$0x0]  }
0x9f: {  	_ =	swait.ge [sflag:s24], $0x2000  }
0xa0: {  	[sflag:s24] =	ssyncset.done $0x0  }
0xa1: {  	s25 =	sadd.s32 $0x400, s4;
	[sflag:s24] =	ssyncadd.s32 $0xFFFFE000  }
0xa2: {  	[tilespmem:s19], [sflag:$0x1] =	stream.indirect.gather [hbm4b:s11+s13], $0x40, s25, s13, $0xb8;
	v63 =	vld [tilespmem:$0x0]  }
0xa3: {  	_ =	swait.ge [sflag:s17], $0x2000  }
0xa4: {  	[sflag:s17] =	ssyncset.done $0x0  }
0xa5: {  	s26 =	sadd.s32 $0x5300, s4;
	[sflag:s17] =	ssyncadd.s32 $0xFFFFE000  }
0xa6: {  	[spmem:s2] =	stream.indirect.scatter.add.f32 [tilespmem:s14], [sflag:$0x2], $0x40, s26, s13, $0xb8;
	v63 =	vld [tilespmem:$0x0]  }
0xa7: {  	_ =	swait.ge [sflag:s24], $0x2000  }
0xa8: {  	[sflag:s24] =	ssyncset.done $0x0  }
0xa9: {  	s28 =	sadd.s32 $0x480, s4;
	[sflag:s24] =	ssyncadd.s32 $0xFFFFE000  }
0xaa: {  	[tilespmem:s22], [sflag:$0x1] =	stream.indirect.gather [hbm4b:s11+s13], $0x40, s28, s13, $0xb8;
	v63 =	vld [tilespmem:$0x0]  }
0xab: {  	_ =	swait.ge [sflag:s17], $0x2000  }
0xac: {  	[sflag:s17] =	ssyncset.done $0x0  }
0xad: {  	s29 =	sadd.s32 $0x5380, s4;
	[sflag:s17] =	ssyncadd.s32 $0xFFFFE000  }
0xae: {  	[spmem:s2] =	stream.indirect.scatter.add.f32 [tilespmem:s16], [sflag:$0x2], $0x40, s29, s13, $0xb8;
	v63 =	vld [tilespmem:$0x0]  }
0xaf: {  	_ =	swait.ge [sflag:s24], $0x2000  }
0xb0: {  	p0 =	seq.s32 s1, $0x12C00;
	[sflag:s24] =	ssyncset.done $0x0  }
0xb1: {  	s5 =	simm.s32 @p0 $0x1;
	[sflag:s24] =	ssyncadd.s32 $0xFFFFE000  }
0xb2: {  	_ =	swait.ge @p0 [sflag:s5], $0x2000  }
0xb3: {  	[sflag:s5] =	ssyncset.done @p0 $0x0  }
0xb4: {  	[sflag:s5] =	ssyncadd.s32 @p0 $0xFFFFE000;
	s5 =	sshra.s32 @p0 s1, $0x2  }
0xb5: {  	s23 =	simm.s32 @p0 $0x80;
	s25 =	simm.s32 @p0 $0x10000;
	s5 =	sadd.s32 @p0 $0x5400, s5  }
0xb6: {  	[spmem:s2] =	stream.indirect.scatter.add.f32 @p0 [tilespmem:s25], [sflag:$0x2], $0x40, s5, s23, $0xb8;
	v63 =	vld [tilespmem:$0x0]  }
0xb7: {  	s5 =	simm.s32 @p0 $0x2  }
0xb8: {  	_ =	swait.ge @p0 [sflag:s5], $0x2000  }
0xb9: {  	[sflag:s5] =	ssyncset.done @p0 $0x0  }
0xba: {  	[sflag:s5] =	ssyncadd.s32 @p0 $0xFFFFE000;
	s5 =	sshra.s32 @!p0 s1, $0x2  }
0xbb: {  	s26 =	simm.s32 @!p0 $0xA000;
	s25 =	simm.s32 @!p0 $0x80;
	s23 =	sadd.s32 @!p0 $0x500, s5  }
0xbc: {  	[tilespmem:s26], [sflag:$0x1] =	stream.indirect.gather @!p0 [hbm4b:s11+s25], $0x40, s23, s25, $0xb8;
	v63 =	vld [tilespmem:$0x0]  }
0xbd: {  	s23 =	simm.s32 @!p0 $0x1  }
0xbe: {  	_ =	swait.ge @!p0 [sflag:s23], $0x2000  }
0xbf: {  	[sflag:s23] =	ssyncset.done @!p0 $0x0  }
0xc0: {  	s26 =	simm.s32 @!p0 $0x10000;
	[sflag:s23] =	ssyncadd.s32 @!p0 $0xFFFFE000;
	s23 =	sadd.s32 @!p0 $0x5400, s5  }
0xc1: {  	[spmem:s2] =	stream.indirect.scatter.add.f32 @!p0 [tilespmem:s26], [sflag:$0x2], $0x40, s23, s25, $0xb8;
	v63 =	vld [tilespmem:$0x0]  }
0xc2: {  	s23 =	simm.s32 @!p0 $0x2  }
0xc3: {  	_ =	swait.ge @!p0 [sflag:s23], $0x2000  }
0xc4: {  	[sflag:s23] =	ssyncset.done @!p0 $0x0  }
0xc5: {  	s5 =	sadd.s32 @!p0 $0x580, s5;
	[sflag:s23] =	ssyncadd.s32 @!p0 $0xFFFFE000;
	s23 =	simm.s32 @!p0 $0xC000  }
0xc6: {  	[tilespmem:s23], [sflag:$0x1] =	stream.indirect.gather @!p0 [hbm4b:s11+s25], $0x40, s5, s25, $0xb8;
	v63 =	vld [tilespmem:$0x0]  }
0xc7: {  	_ =	swait.ge [sflag:s17], $0x2000  }
0xc8: {  	[sflag:s17] =	ssyncset.done $0x0  }
.Ltmp1:
0xc9: {  	s30 =	sadd.s32 $0x5480, s4;
	[sflag:s17] =	ssyncadd.s32 $0xFFFFE000;
	(pc) =	sbr.rel @p0 .LBB2_7-.Ltmp1, $4  }
0xca: {  	[spmem:s2] =	stream.indirect.scatter.add.f32 [tilespmem:s22], [sflag:$0x2], $0x40, s30, s13, $0xb8;
	v63 =	vld [tilespmem:$0x0]  }
0xcb: {  	_ =	swait.ge [sflag:s24], $0x2000  }
0xcc: {  	[sflag:s24] =	ssyncset.done $0x0  }
0xcd: {  	[sflag:s24] =	ssyncadd.s32 $0xFFFFE000  }
.Ltmp2:
0xce: {  	(pc) =	sbr.rel .LBB2_5-.Ltmp2, $3  }
0xcf: {  	_ =	sdelay $0x1  }
0xd0: {  	s4 =	sadd.s32 $0x600, s4;
	s1 =	sadd.s32 $0xA00, s1  }
0xd1: {  	[tilespmem:s16], [sflag:$0x1] =	stream.indirect.gather [hbm4b:s11+s13], $0x40, s4, s13, $0xb8;
	v63 =	vld [tilespmem:$0x0]  }
.LBB2_7:
0xd2: {  	_ =	swait.ge [sflag:s24], $0x2000  }
0xd3: {  	[sflag:s24] =	ssyncset.done $0x0  }
0xd4: {  	p0 =	seq.s32 s18, $0x27;
	[sflag:s24] =	ssyncadd.s32 $0xFFFFE000  }
0xd5: {  	s5 =	smov.u32 s20;
	s4 =	smov.u32 s21;
	_ =	swait.ge [sflag:s24], $0x2000  }
0xd6: {  	s1 =	smov.u32 s11;
	s23 =	simm.s32 $0x0;
	[sflag:s24] =	ssyncset.done $0x0  }
0xd7: {  	s25 =	simm.s32 $0x0;
	s5 =	smov.u32 @p0 s7;
	[sflag:s24] =	ssyncadd.s32 $0xFFFFE000  }
0xd8: {  	s4 =	smov.u32 @p0 s6;
	s1 =	smov.u32 @p0 s9;
	[bflag:$0x0] =	sbarrier.arrive $0xFFFF  }
.LBB2_8:
0xd9: {  	s26 =	sshll.u32 s25, $0x7  }
0xda: {  	s28 =	sadd.s32 s8, s26  }
0xdb: {  	s26 =	sshll.u32 s28, $0x6  }
0xdc: {  	s26 =	sand.u32 $0x3FFFFFC0, s26  }
0xdd: {  	s26 =	sadd.s32 s26, s2  }
0xde: {  	[tilespmem:s12], [sflag:$0x3] =	stream.linear.gather [spmem:s26], $0x2000, $0x38;
	v63 =	vld [tilespmem:$0x0]  }
0xdf: {  	s28 =	sadd.s32 s10, s28;
	_ =	swait.ge [sflag:s31], $0x2000  }
0xe0: {  	s28 =	sshll.u32 s28, $0x3;
	[sflag:s31] =	ssyncset.done $0x0  }
0xe1: {  	s29 =	sadd.s32 s5, s28;
	[sflag:s31] =	ssyncadd.s32 $0xFFFFE000  }
0xe2: {  	[tilespmem:s14], [sflag:$0x3] =	stream.linear.gather [hbm4b:s29+s23], $0x2000, $0x38;
	v63 =	vld [tilespmem:$0x0]  }
0xe3: {  	_ =	swait.ge [sflag:s31], $0x2000  }
0xe4: {  	[sflag:s31] =	ssyncset.done $0x0  }
0xe5: {  	s29 =	sadd.s32 s4, s28;
	[sflag:s31] =	ssyncadd.s32 $0xFFFFE000  }
0xe6: {  	[tilespmem:s16], [sflag:$0x3] =	stream.linear.gather [hbm4b:s29+s23], $0x2000, $0x38;
	v63 =	vld [tilespmem:$0x0]  }
0xe7: {  	_ =	swait.ge [sflag:s31], $0x2000  }
0xe8: {  	[sflag:s31] =	ssyncset.done $0x0  }
0xe9: {  	s29 =	simm.s32 $0x0;
	[sflag:s31] =	ssyncadd.s32 $0xFFFFE000  }
0xea: {  	v6 =	vld [tilespmem:s29+$0xE000]  }
0xeb: {  	v5 =	vld [tilespmem:s29+$0xE010]  }
0xec: {  	v4 =	vld [tilespmem:s29+$0xC000]  }
0xed: {  	v3 =	vld [tilespmem:s29+$0xC010]  }
0xee: {  	v2 =	vld [tilespmem:s29+$0xC020]  }
0xef: {  	v1 =	vld [tilespmem:s29+$0xC030]  }
0xf0: {  	v8 =	vld [tilespmem:s29+$0xA000]  }
0xf1: {  	v9 =	vld [tilespmem:s29+$0xA010]  }
0xf2: {  	s30 =	simm.s32 $0x100;
	v7 =	vld [tilespmem:s29+$0xA020]  }
.LBB2_9:
0xf3: {  	p0 =	sne.s32 s30, $0x7F00;
	v10 =	vld [tilespmem:s29+$0xA030]  }
0xf4: {  	v11 =	vld [tilespmem:s29+$0xE020]  }
0xf5: {  	s15 =	sshra.s32 s30, $0x2;
	v4 =	vmul.f32 v4, v8;
	v8 =	vld [tilespmem:s29+$0xE030]  }
0xf6: {  	v12 =	vld [tilespmem:s15+$0xE000];
	v3 =	vmul.f32 v3, v9  }
0xf7: {  	v9 =	vld [tilespmem:s15+$0xE010];
	v6 =	vadd.f32 v6, v4;
	v2 =	vmul.f32 v2, v7  }
0xf8: {  	v4 =	vld [tilespmem:s15+$0xC000];
	v5 =	vadd.f32 v5, v3;
	v1 =	vmul.f32 v1, v10  }
0xf9: {  	v3 =	vld [tilespmem:s15+$0xC010];
	[tilespmem:s29+$0xA000] =	vst v6;
	v7 =	vadd.f32 v11, v2  }
.Ltmp3:
0xfa: {  	v2 =	vld [tilespmem:s15+$0xC020];
	[tilespmem:s29+$0xA010] =	vst v5;
	v10 =	vadd.f32 v8, v1;
	(pc) =	sbr.rel @p0 .LBB2_9-.Ltmp3, $4  }
0xfb: {  	v1 =	vld [tilespmem:s15+$0xC030];
	[tilespmem:s29+$0xA020] =	vst v7;
	v6 =	vmov v12  }
0xfc: {  	v8 =	vld [tilespmem:s15+$0xA000];
	[tilespmem:s29+$0xA030] =	vst v10;
	v5 =	vmov v9;
	s29 =	smov.u32 s15  }
0xfd: {  	v9 =	vld [tilespmem:s29+$0xA010]  }
0xfe: {  	s30 =	sadd.s32 $0x100, s30;
	v7 =	vld [tilespmem:s29+$0xA020]  }
0xff: {  	v10 =	vld [tilespmem:s29+$0xA030]  }
0x100: {  	v11 =	vld [tilespmem:s29+$0xE020]  }
0x101: {  	v62 =	vld [tilespmem:s29+$0xE030];
	v4 =	vmul.f32 v4, v8  }
0x102: {  	v3 =	vmul.f32 v3, v9  }
0x103: {  	v4 =	vadd.f32 v6, v4;
	v2 =	vmul.f32 v2, v7  }
0x104: {  	v3 =	vadd.f32 v5, v3;
	v1 =	vmul.f32 v1, v10  }
0x105: {  	[tilespmem:s29+$0xA000] =	vst v4;
	v2 =	vadd.f32 v11, v2  }
0x106: {  	[tilespmem:s29+$0xA010] =	vst v3;
	v1 =	vadd.f32 v62, v1  }
0x107: {  	[tilespmem:s29+$0xA020] =	vst v2  }
0x108: {  	s15 =	sadd.s32 s1, s28;
	[tilespmem:s29+$0xA030] =	vst v1  }
0x109: {  	[hbm4b:s15+s3] =	stream.linear.scatter [tilespmem:s12], [sflag:$0x3], $0x2000, $0x38;
	v63 =	vld [tilespmem:$0x0]  }
0x10a: {  	s25 =	sadd.s32 $0x1, s25;
	_ =	swait.ge [sflag:s31], $0x2000  }
0x10b: {  	p0 =	sne.s32 s25, $0x5;
	[sflag:s31] =	ssyncset.done $0x0  }
.Ltmp4:
0x10c: {  	[sflag:s31] =	ssyncadd.s32 $0xFFFFE000;
	(pc) =	sbr.rel @p0 .LBB2_8-.Ltmp4, $4  }
0x10d: {  	[spmem:s26] =	stream.linear.scatter [tilespmem:s0], [sflag:$0x3], $0x2000, $0x38;
	v63 =	vld [tilespmem:$0x0]  }
0x10e: {  	_ =	swait.ge [sflag:s31], $0x2000  }
0x10f: {  	[sflag:s31] =	ssyncset.done $0x0  }
0x110: {  	[sflag:s31] =	ssyncadd.s32 $0xFFFFE000  }
0x111: {  	s18 =	sadd.s32 $0x1, s18  }
0x112: {  	p0 =	sne.s32 s18, $0x28  }
.Ltmp5:
0x113: {  	_ = 	snop;
	(pc) =	sbr.rel @p0 .LBB2_4-.Ltmp5, $2  }
0x114: {  	_ =	sdelay $0x1  }
0x115: {  	[bflag:$0x0] =	sbarrier.arrive $0xFFFF;
	_ =	sdelay $0x1  }
0x116: {  	s4 =	rddreg [dreg:$0x15]  }
0x117: {  	s1 =	rddreg [dreg:$0x5];
	s4 =	sadd.s32 $0x1, s4  }
0x118: {  	p0 =	sne.s32 s4, s1  }
.Ltmp6:
0x119: {  	_ = 	snop;
	(pc) =	sbr.rel @p0 .LBB2_1-.Ltmp6, $1  }
0x11a: {  	_ =	sdelay $0x3  }
0x11b: {  	_ =	sfence.sel $0x180000  }
0x11c: {  	[bflag:$0x0] =	sbarrier.arrive $0xFFFF  }
0x11d: {  	_ =	strace $0x9000004A  }
0x11e: {  	s0 =	stileid.u32;
	[bflag:$0x2] =	sbarrier.arrive $0xFFFF  }
0x11f: {  	p0 =	sne.s32 s0, $0x0;
	s0 =	rddreg [dreg:$0x2]  }
0x120: {  	s0 =	sadd.s32 @!p0 $0x100000, s0  }
0x121: {  	[sflag:s0] =	ssyncadd.tile.s32 @!p0 $0x1;
	_ =	shalt  }
.Lfunc_end2:
_tile_overlayer_lowered:
.L_overlay_start_2:
0x122: {  	(tag) =	ssettag $0x2  }
0x123: {  	s0 =	rddreg [dreg:$0x0];
	s2 =	stileid.u32  }
0x124: {  	s1 =	rddreg [dreg:$0x1];
	p0 =	sne.s32 s2, $0x0  }
0x125: {  	s3 =	rddreg [dreg:$0x2];
	[bflag:$0x3] =	sbarrier.arrive $0xFFFF;
	s2 =	simm.s32 @!p0 $0x1C03  }
0x126: {  	[timem:s3], [sflag:s2] =	dma.local @!p0 [hbm:s0], s1  }
0x127: {  	s0 =	simm.s32 @!p0 $0x3  }
0x128: {  	_ =	swait.ge @!p0 [sflag:s0], s1  }
0x129: {  	s1 =	ssub.s32 @!p0 $0x0, s1;
	[sflag:s0] =	ssyncset.done @!p0 $0x0  }
0x12a: {  	[sflag:s0] =	ssyncadd.s32 @!p0 s1  }
0x12b: {  	[bflag:$0x3] =	sbarrier.arrive $0xFFFF  }
0x12c: {  	_ =	shalt  }

// kernel: scatter_offload_async_start
scs
__scs_entry_jumppad:
0x0: {  	(pc) =	sbr.rel $0x88, $3  }
0x1: {  	(tag) =	ssettag $0x0;
	lr =	simm.s32 $0x1  }
0x2: {  	[smem:$0x3F9E] =	sst lr;
	_ =	strace $0xD0000000  }
0x3: {  	_ = 	snop  }
0x4: {  	_ = 	snop  }
0x5: {  	_ = 	snop  }
0x6: {  	_ = 	snop  }
0x7: {  	_ = 	snop  }
__scs_overlays_trampoline_lowered:
0x8: {  	[smem:$0x3FAD] =	sst s0  }
0x9: {  	[smem:$0x3FAE] =	sst s1  }
0xa: {  	[smem:$0x3FAF] =	sst s2  }
0xb: {  	[smem:$0x3FB0] =	sst s3  }
0xc: {  	[smem:$0x3FB1] =	sst s4  }
0xd: {  	[smem:$0x3FB2] =	sst s5  }
0xe: {  	[smem:$0x3FB3] =	sst s6  }
0xf: {  	[smem:$0x3FB4] =	sst s7  }
0x10: {  	[smem:$0x3FB5] =	sst s8  }
0x11: {  	[smem:$0x3FB6] =	sst s9;
	s0 =	simm.s32 @!p0 $0x0  }
0x12: {  	s1 =	sld [smem:$0x3F9C];
	s0 =	simm.s32 @p0 $0x1  }
0x13: {  	[smem:$0x3FB7] =	sst s0;
	s0 =	simm.s32 @!p1 $0x0  }
0x14: {  	s2 =	sld [smem:$0x3F9B];
	s0 =	simm.s32 @p1 $0x1  }
0x15: {  	[smem:$0x3FB8] =	sst s0;
	s0 =	simm.s32 @!p2 $0x0  }
0x16: {  	s3 =	sld [smem:$0x3FDB];
	s0 =	simm.s32 @p2 $0x1  }
0x17: {  	s4 =	simm.s32 $0x1BF5;
	[smem:$0x3FBA] =	sst s0  }
0x18: {  	s0 =	sld [smem:$0x3F9D];
	_ =	swait.ge [sflag:s4], $0x0  }
0x19: {  	s7 =	sld [smem:$0x3F9E]  }
0x1a: {  	s8 =	sadd.s32 $0xFFFFE003, lr  }
0x1b: {  	s9 =	sadd.s32 $0xFFFFFEF7, lr;
	s5 =	simm.s32 $0xFFFFFFFF;
	p2 =	slt.u32 s8, $0xFFFFF086  }
0x1c: {  	p1 =	slt.u32 s9, $0xF7A;
	s5 =	simm.s32 @!p2 $0x0  }
0x1d: {  	s5 =	simm.s32 @p1 $0x1;
	p0 =	seq.s32 s7, s2  }
0x1e: {  	s7 =	smul.u32 @!p0 $0xF7A, s2;
	p2 =	seq.s32 @!p0 s5, $0x0  }
0x1f: {  	s9 =	smul.u32 $0xF7A, s1;
	s8 =	simm.s32 @!p0 $0x1BF5;
	p2 =	por !p2, p0  }
0x20: {  	[sflag:s8] =	ssyncset.s32 @!p0 $0xFFFFF086;
	s6 =	sadd.s32 @!p0 s3, s7;
	s7 =	simm.s32 @!p0 $0x108  }
0x21: {  	s3 =	sadd.s32 s3, s9;
	s6 =	sadd.s32 @!p0 $0x88, s6;
	s7 =	simm.s32 @p2 $0x1082  }
0x22: {  	[simem:s7], [sflag:s8] =	dma.local @!p0 [hbm:s6], $0xF7A  }
0x23: {  	s9 =	sor.u32 $0xD0000000, s2;
	s6 =	simm.s32 $0x108;
	_ =	swait.ge @!p0 [sflag:s8], $0x0  }
0x24: {  	s3 =	sadd.s32 $0x88, s3;
	s6 =	simm.s32 @!p1 $0x1082;
	[sflag:s4] =	ssyncset.s32 $0xFFFFF086  }
0x25: {  	[simem:s6], [sflag:s4] =	dma.local [hbm:s3], $0xF7A  }
0x26: {  	[smem:$0x3F9E] =	sst s1;
	(tag) =	ssettag s2;
	_ =	strace s9  }
0x27: {  	s1 =	sld [smem:$0x3FAE]  }
0x28: {  	s2 =	sld [smem:$0x3FAF]  }
0x29: {  	s4 =	sld [smem:$0x3FB1]  }
0x2a: {  	p0 =	seq.s32 s5, $0x0;
	s5 =	sld [smem:$0x3FB2]  }
0x2b: {  	s6 =	sld [smem:$0x3FB3]  }
0x2c: {  	s7 =	sld [smem:$0x3FB4]  }
0x2d: {  	s3 =	simm.s32 $0x108;
	s8 =	sld [smem:$0x3FB5]  }
0x2e: {  	s3 =	simm.s32 @!p0 $0x1082;
	s9 =	sld [smem:$0x3FB6]  }
0x2f: {  	lr =	sadd.s32 s0, s3;
	s0 =	sld [smem:$0x3FAD]  }
0x30: {  	s3 =	sld [smem:$0x3FB0]  }
0x31: {  	[smem:$0x3FB9] =	sst s10  }
0x32: {  	s10 =	sld [smem:$0x3FB7];
	_ =	sdelay $0x3  }
0x33: {  	p0 =	seq.s32 s10, $0x1;
	s10 =	sld [smem:$0x3FB9];
	_ =	sdelay $0x3  }
0x34: {  	[smem:$0x3FB9] =	sst s10  }
0x35: {  	s10 =	sld [smem:$0x3FB8];
	_ =	sdelay $0x3  }
0x36: {  	p1 =	seq.s32 s10, $0x1;
	s10 =	sld [smem:$0x3FB9];
	_ =	sdelay $0x3  }
0x37: {  	[smem:$0x3FB9] =	sst s10  }
0x38: {  	s10 =	sld [smem:$0x3FBA]  }
0x39: {  	_ = 	snop;
	(pc) =	sbr.ind lr, $3  }
0x3a: {  	_ = 	snop  }
0x3b: {  	_ = 	snop  }
0x3c: {  	p2 =	seq.s32 s10, $0x1;
	s10 =	sld [smem:$0x3FB9]  }
0x3d: {  	_ =	shalt  }
0x3e: {  	_ =	shalt  }
0x3f: {  	_ =	shalt  }
0x40: {  	_ =	shalt  }
0x41: {  	_ =	shalt  }
0x42: {  	_ =	shalt  }
0x43: {  	_ =	shalt  }
0x44: {  	_ =	shalt  }
0x45: {  	_ =	shalt  }
0x46: {  	_ =	shalt  }
0x47: {  	_ =	shalt  }
0x48: {  	_ =	shalt  }
0x49: {  	_ =	shalt  }
0x4a: {  	_ =	shalt  }
0x4b: {  	_ =	shalt  }
0x4c: {  	_ =	shalt  }
0x4d: {  	_ =	shalt  }
0x4e: {  	_ =	shalt  }
0x4f: {  	_ =	shalt  }
0x50: {  	_ =	shalt  }
0x51: {  	_ =	shalt  }
0x52: {  	_ =	shalt  }
0x53: {  	_ =	shalt  }
0x54: {  	_ =	shalt  }
0x55: {  	_ =	shalt  }
0x56: {  	_ =	shalt  }
0x57: {  	_ =	shalt  }
0x58: {  	_ =	shalt  }
0x59: {  	_ =	shalt  }
0x5a: {  	_ =	shalt  }
0x5b: {  	_ =	shalt  }
0x5c: {  	_ =	shalt  }
0x5d: {  	_ =	shalt  }
0x5e: {  	_ =	shalt  }
0x5f: {  	_ =	shalt  }
0x60: {  	_ =	shalt  }
0x61: {  	_ =	shalt  }
0x62: {  	_ =	shalt  }
0x63: {  	_ =	shalt  }
0x64: {  	_ =	shalt  }
0x65: {  	_ =	shalt  }
0x66: {  	_ =	shalt  }
0x67: {  	_ =	shalt  }
0x68: {  	_ =	shalt  }
0x69: {  	_ =	shalt  }
0x6a: {  	_ =	shalt  }
0x6b: {  	_ =	shalt  }
0x6c: {  	_ =	shalt  }
0x6d: {  	_ =	shalt  }
0x6e: {  	_ =	shalt  }
0x6f: {  	_ =	shalt  }
0x70: {  	_ =	shalt  }
0x71: {  	_ =	shalt  }
0x72: {  	_ =	shalt  }
0x73: {  	_ =	shalt  }
0x74: {  	_ =	shalt  }
0x75: {  	_ =	shalt  }
0x76: {  	_ =	shalt  }
0x77: {  	_ =	shalt  }
0x78: {  	_ =	shalt  }
0x79: {  	_ =	shalt  }
0x7a: {  	_ =	shalt  }
0x7b: {  	_ =	shalt  }
0x7c: {  	_ =	shalt  }
0x7d: {  	_ =	shalt  }
0x7e: {  	_ =	shalt  }
0x7f: {  	_ =	shalt  }
0x80: {  	_ =	shalt  }
0x81: {  	_ =	shalt  }
0x82: {  	_ =	shalt  }
0x83: {  	_ =	shalt  }
0x84: {  	_ =	shalt  }
0x85: {  	_ =	shalt  }
0x86: {  	_ =	shalt  }
0x87: {  	_ =	shalt  }
.Lfunc_end0:
.L_simem_size_0:
called_computation_lowered:
.L_overlay_start_0:
0x88: {  	s0 =	sld [smem:$0x3FD9]  }
0x89: {  	s1 =	sld [smem:$0x3FFE];
	_ =	sdelay $0x3  }
0x8a: {  	s0 =	sadd.s32 s1, s0  }
0x8b: {  	[smem:$0x3FC5] =	sst s0  }
0x8c: {  	_ = 	snop  }
0x8d: {  	(tm) =	ssettm $0x1  }
0x8e: {  	s15 =	sld [smem:$0x3FFB];
	_ =	sdelay $0x3  }
0x8f: {  	_ =	strace s15  }
0x90: {  	s0 =	sld [smem:$0x3FFC];
	_ =	sdelay $0x3  }
0x91: {  	_ =	strace s0  }
0x92: {  	s0 =	sld [smem:$0x3FFD];
	_ =	sdelay $0x3  }
0x93: {  	_ =	strace s0  }
0x94: {  	_ =	strace $0x8FFFFFFF  }
0x95: {  	s16 =	sld [smem:$0x3FDB];
	_ =	sdelay $0x1  }
0x96: {  	s17 =	simm.s32 $_scs_section_size  }
0x97: {  	s2 =	simm.s32 $_size__tile_overlayer_lowered;
	s3 =	simm.s32 $_tile_overlayer_lowered  }
0x98: {  	s20 =	simm.s32 $0x1BFF;
	s19 =	sshll.u32 s3, $0x1;
	s0 =	sadd.s32 s17, s16  }
0x99: {  	s4 =	simm.s32 $0x0;
	s18 =	sshll.u32 s2, $0x1;
	s2 =	sadd.s32 s19, s0  }
0x9a: {  	[timem:s4], [sflag:s20] =	dma.local [hbm:s2], s18  }
0x9b: {  	_ =	swait.ge [sflag:s20], s18  }
0x9c: {  	s1 =	ssub.s32 $0x0, s18;
	[sflag:s20] =	ssyncset.done $0x0  }
0x9d: {  	[sflag:s20] =	ssyncadd.s32 s1;
	_ =	sdelay $0x1  }
0x9e: {  	s21 =	simm.s32 $0x1B8B  }
0x9f: {  	_ =	swait.ge [sflag:s21], $0x1  }
0xa0: {  	[sflag:s21] =	ssyncset.done $0x0  }
0xa1: {  	s23 =	simm.s32 $0x1B8E;
	s22 =	sld [smem:$0x3FFE];
	[sflag:s21] =	ssyncadd.s32 $0xFFFFFFFF  }
0xa2: {  	s24 =	simm.s32 $execute0_lowered;
	[smem:$0x3FD2] =	sst s23  }
0xa3: {  	s2 =	sshll.u32 s24, $0x1;
	_ =	strace $0x80000046;
	[dreg:$0x1] =	wrdreg $0xFFFFFFFF  }
0xa4: {  	s25 =	simm.s32 $_size_execute0_lowered;
	s0 =	sadd.s32 s0, s2;
	[dreg:$0x0] =	wrdreg $0x0  }
0xa5: {  	s2 =	sshll.u32 s25, $0x1;
	[dreg:$0x2] =	wrdreg s0  }
0xa6: {  	[dreg:$0x3] =	wrdreg s2  }
0xa7: {  	[dreg:$0x4] =	wrdreg $0xC0  }
0xa8: {  	_ =	task [dreg:s4], $0x5FFFF  }
0xa9: {  	[dreg:$0x1] =	wrdreg $0xFFFFFFFF  }
0xaa: {  	[dreg:$0x0] =	wrdreg $0x60  }
0xab: {  	[dreg:$0x2] =	wrdreg s22  }
0xac: {  	[dreg:$0x3] =	wrdreg $0x9  }
0xad: {  	_ =	task.clear_ibuf [dreg:s4], $0x4FFFF;
	_ =	strace $0x90000046  }
0xae: {  	s26 =	simm.s32 $0x9;
	_ =	strace $0x80000048  }
0xaf: {  	_ =	swait.ge [sflag:s26], $0x1  }
0xb0: {  	[sflag:s26] =	ssyncadd.s32 $0xFFFFFFFF  }
0xb1: {  	_ =	strace $0x90000048  }
0xb2: {  	_ =	sfence  }
0xb3: {  	s28 =	sld [smem:$0x0];
	_ =	sdelay $0x1  }
0xb4: {  	s29 =	srdreg.scid  }
0xb5: {  	s30 =	sshll.u32 s29, $0xD;
	s31 =	sshrl.u32 s29, $0x2  }
0xb6: {  	s1 =	sand.u32 $0x1, s29;
	s2 =	sand.u32 $0x4000, s30;
	s0 =	sadd.s32 s31, s28  }
0xb7: {  	s1 =	sor.u32 s2, s1;
	s0 =	sshll.u32 s0, $0x11  }
0xb8: {  	s0 =	sor.u32 s0, s1  }
0xb9: {  	s0 =	sadd.s32 $0x8F2B, s0  }
0xba: {  	[sflag:s0] =	ssyncadd.remote.s32 $0x1  }
0xbb: {  	_ =	sfence.sel $0xFFFF  }
0xbc: {  	[dreg:$0x0] =	wrdreg $0xFFFFFFFF;
	(pc) =	sbr.abs _section_cstart, $3  }
0xbd: {  	[dreg:$0x1] =	wrdreg $0xFFFFFFFF  }
0xbe: {  	_ =	task.clear_ibuf [dreg:s4], $0x2FFFF;
	_ =	strace $0x9FFFFFFF  }
0xbf: {  	(tm) =	ssettm $0x7FFFFFFF  }
tec
execute0_lowered:
.L_overlay_start_1:
0x0: {  	(tag) =	ssettag $0x1  }
0x1: {  	s0 =	rddreg [dreg:$0x0];
	_ =	strace $0x80000047;
	s15 =	stileid.u32  }
0x2: {  	s2 =	simm.s32 $0x1;
	s1 =	smin.u32 s15, $0x8;
	s3 =	sshll.u32 s15, $0x1  }
0x3: {  	v1 =	vimm.s32 $0xFFFFFFFF;
	[sflag:s2] =	ssyncpa.u1 $0x0;
	s1 =	sadd.s32 s1, s3  }
0x4: {  	p0 =	slt.u32 s15, $0x8;
	[tilespmem:$0x10] =	vst v1;
	s4 =	smul.u32 $0x1F40, s1;
	s1 =	simm.s32 $0x5DC0  }
0x5: {  	v0 =	vimm.f32 $0.0e+00;
	[tilespmem:$0x20] =	vst v1;
	s1 =	simm.s32 @!p0 $0x3E80  }
0x6: {  	[tilespmem:$0x30] =	vst v0;
	s1 =	sadd.s32 s1, s4  }
0x7: {  	[tilespmem:$0x40] =	vst v0;
	s5 =	smin.u32 s1, $0x4E200  }
0x8: {  	s7 =	simm.s32 $0x2;
	s8 =	simm.s32 $0x8;
	[tilespmem:$0x50] =	vst v0;
	s9 =	ssub.s32 s5, s4  }
0x9: {  	s31 =	simm.s32 $0x9;
	s16 =	simm.s32 $0x0;
	[tilespmem:$0x60] =	vst v1;
	p0 =	sgt.s32 s9, $0x0  }
0xa: {  	s17 =	simm.s32 $0xF0;
	s18 =	simm.s32 $0xFFFFFFFF;
	[tilespmem:$0x70] =	vst v1;
	s9 =	simm.s32 @!p0 $0x0  }
0xb: {  	s19 =	simm.s32 $0xFFFFC280;
	s20 =	simm.s32 $0xFFFFFFFE;
	[tilespmem:$0x80] =	vst v1;
	s30 =	smulhi.u32 $0x10624DD3, s9  }
0xc: {  	s21 =	simm.s32 $0xF;
	s25 =	simm.s32 $0x0;
	s24 =	simm.s32 $0x0;
	v1 =	vimm.s32 $0x0;
	[tilespmem:$0xB0] =	vst v0  }
0xd: {  	s6 =	sadd.s32 $0x800, s0;
	s15 =	sshllo.u32 s15, $0x1;
	[tilespmem:$0x90] =	vst v1;
	s10 =	sshrl.u32 s30, $0x9  }
0xe: {  	[tilespmem:$0xA0] =	vst v1;
	[sflag:s7] =	ssyncpa.u1 $0x0;
	s7 =	simm.s32 $0x7;
	s11 =	smul.u32 $0x1F40, s10  }
.Ltmp0:
0xf: {  	s13 =	sor.u32 $0x80, s3;
	[sflag:s7] =	ssyncpa.u1 $0x0;
	(pc) =	sbr.rel .LBB2_1-.Ltmp0, $4  }
0x10: {  	s14 =	sor.u32 $0x81, s3;
	[sflag:s8] =	ssyncpa.u1 $0x0;
	p0 =	sne.s32 s9, s11  }
0x11: {  	s23 =	smov.u32 s4;
	s1 =	sadd.s32 $0x28400, s0;
	s2 =	simm.s32 @!p0 $0x0  }
0x12: {  	vm0 =	vmmov $0xffff;
	v2 =	vlaneseq.u32;
	[sflag:s31] =	ssyncpa.u1 $0x0;
	s9 =	sadd.s32 $0xA600, s0;
	s10 =	sadd.s32 s2, s10  }
0x13: {  	vm1 =	vmxor vm1, vm1;
	vm2 =	vmmov $0x1;
	vm3 =	vcmask $0x3F3C;
	p0 =	por $0x0, $0x0;
	s11 =	sadd.s32 $0x1, s10;
	s12 =	sadd.s32 $0x2, s10  }
.LBB2_9:
0x14: {  	p1 =	slt.u32 s24, $0x3  }
0x15: {  	s0 =	simm.s32 @!p1 $0x2  }
0x16: {  	_ =	swait.ge @!p1 [sflag:s0], $0x1F40  }
0x17: {  	[sflag:s0] =	ssyncset.done @!p1 $0x0  }
0x18: {  	[sflag:s0] =	ssyncadd.s32 @!p1 $0xFFFFE0C0;
	s0 =	simm.s32 @!p1 $0x9  }
0x19: {  	_ =	swait.ge @!p1 [sflag:s0], $0x10  }
0x1a: {  	[sflag:s0] =	ssyncset.done @!p1 $0x0  }
0x1b: {  	[sflag:s0] =	ssyncadd.s32 @!p1 $0xFFFFFFF0;
	p1 =	sne.s32 s24, s12  }
.Ltmp1:
0x1c: {  	s2 =	sadd.s32 $0x1F40, s23;
	(pc) =	sbr.rel @!p1 .LBB2_10-.Ltmp1, $4  }
0x1d: {  	s22 =	smov.u32 s4;
	s31 =	sadd.s32 $0x1, s24;
	s17 =	sadd.s32 $0x1F40, s17  }
0x1e: {  	s18 =	sadd.s32 $0x1, s18;
	s25 =	smov.u32 s23;
	p2 =	slt.s32 s2, s5  }
0x1f: {  	p0 =	por !p0, !p0;
	s19 =	sadd.s32 $0x1F40, s19;
	s22 =	smov.u32 @p2 s2  }
0x20: {  	s20 =	sadd.s32 $0x1, s20;
	s23 =	smov.u32 s22;
	s24 =	smov.u32 s31  }
.LBB2_1:
0x21: {  	p1 =	sge.u32 s24, s10  }
0x22: {  	s0 =	smulhi.u32 @!p1 $0xAAAAAAAB, s24;
	_ =	sdelay $0x1  }
0x23: {  	s0 =	sshrl.u32 @!p1 s0, $0x1  }
0x24: {  	s0 =	smul.u32 @!p1 $0x3, s0;
	_ =	sdelay $0x1  }
0x25: {  	s0 =	ssub.s32 @!p1 s24, s0  }
0x26: {  	s0 =	smul.u32 @!p1 $0x7D00, s0;
	_ =	sdelay $0x1  }
0x27: {  	s2 =	sshrl.u32 @!p1 s23, $0x3;
	s0 =	sshrl.u32 @!p1 s0, $0x2  }
0x28: {  	s22 =	sand.u32 @!p1 $0x7, s23;
	s2 =	sadd.s32 @!p1 s6, s2;
	s0 =	sadd.s32 @!p1 $0x100, s0  }
0x29: {  	[tilespmem:s0], [sflag:$0x7] =	stream.linear.gather @!p1 [hbm4b:s2+s22], $0x1F40, $0x38;
	[tilespmem:$0x11A60] =	vst v63  }
0x2a: {  	s0 =	sadd.s32 $0xFFFFFFFF, s24  }
0x2b: {  	p1 =	sge.u32 s0, s10  }
.Ltmp2:
0x2c: {  	_ = 	snop;
	(pc) =	sbr.rel @p1 .LBB2_5-.Ltmp2, $1  }
0x2d: {  	_ =	sdelay $0x3  }
0x2e: {  	s2 =	smulhi.u32 $0xAAAAAAAB, s0;
	_ =	sdelay $0x1  }
0x2f: {  	s2 =	sshrl.u32 s2, $0x1  }
0x30: {  	s2 =	smul.u32 $0x3, s2;
	_ =	sdelay $0x1  }
0x31: {  	s2 =	ssub.s32 s0, s2  }
0x32: {  	s2 =	smul.u32 $0x7D00, s2  }
0x33: {  	_ =	swait.ge [sflag:s7], $0x1F40  }
0x34: {  	[sflag:s7] =	ssyncset.done $0x0;
	s2 =	sshrl.u32 s2, $0x2  }
0x35: {  	[sflag:s7] =	ssyncadd.s32 $0xFFFFE0C0;
	(ifvalue) =	ssetifvalue $0xFFFFFFFF;
	v3 =	vld.msk [tilespmem:s2+$0x100 ss:$0x1], $0xffff;
	_ =	sdelay $0x2  }
0x36: {  	s30 =	smulhi.u32 $0xAAAAAAAB, s18;
	p1 =	sne.s32 s24, $0x1  }
0x37: {  	v4 =	vimm.s32 @!p1 $0x0  }
0x38: {  	s2 =	sshrl.u32 s30, $0x1;
	v4 =	vperm.xlane @!p1 v3, v4  }
0x39: {  	s22 =	sshll.u32 s24, $0x4;
	s2 =	smul.u32 $0xFFFE8900, s2;
	vm4 =	vlt.u32 v3, $0x2800  }
0x3a: {  	s22 =	sand.u32 $0x10, s22;
	v3 =	vnsel vm4, $0xFFFFFFFE, v3;
	vm4 =	vlt.u32 @!p1 v4, $0x2800  }
0x3b: {  	s2 =	sshra.s32 s2, $0x2;
	[tilespmem:s22+$0x60] =	vst v3;
	v3 =	vnsel @!p1 vm4, $0xFFFFFFFE, v4  }
0x3c: {  	s28 =	sadd.s32 s2, s17;
	[tilespmem:$0x80] =	vst @!p1 v3  }
0x3d: {  	v3 =	vld.msk [tilespmem:s28+$0x0 ss:$0x1], $0xffff;
	_ =	sdelay $0x4  }
0x3e: {  	(xrf1) =	vunique.msk.u32 $0xffff, v3;
	_ =	sdelay $0xd  }
0x3f: {  	v4 =	vimm.s32 $0xFFFFFFFF;
	v5, _, _ =	vpop (xrf1)  }
0x40: {  	vm5 =	vne.s32 v3, v4;
	vm4 =	veq.s32 v5, v2  }
0x41: {  	vm6 =	vlt.u32 v3, $0x2800;
	vm4 =	vmand vm5, vm4  }
0x42: {  	vm4 =	vmand vm6, vm4  }
0x43: {  	v4 =	vnsel vm4, $0xFFFFFFFF, v3  }
0x44: {  	s31 =	sand.u32 $0x1, s0  }
0x45: {  	s0 =	simm.s32 $0x1F40;
	p1 =	seq.s32 s31, $0x1  }
0x46: {  	s0 =	simm.s32 @!p1 $0x0  }
0x47: {  	s26 =	sadd.s32 $0x7DF0, s0;
	(ifvalue) =	ssetifvalue $0xFFFFFFFF  }
0x48: {  	v3 =	vperm.xlane v3, v1;
	[tilespmem:s26], [sflag:$0x8] =	stream.indirect_vreg.gather [hbm4b:s1+s16], $0x1, v4, vm0, $0x4038;
	v4 =	vnsel vm6, $0xFFFFFFFE, v4;
	[tilespmem:$0x11A60] =	vst v63  }
0x49: {  	s2 =	simm.s32 $0x0;
	s22 =	sadd.s32 $0xFFFFFFF0, s28;
	[tilespmem:s28+$0x0] =	vst v4  }
.LBB2_3:
0x4a: {  	v4 =	vld.msk [tilespmem:s22+$0x0 ss:$0x1], $0xffff;
	s2 =	sadd.s32 $0x10, s2;
	v5 =	vmov v3;
	s28 =	smov.u32 s22  }
0x4b: {  	p1 =	slt.u32 s2, $0x1F30;
	_ =	sdelay $0x4  }
0x4c: {  	v3 =	vperm.xlane v4, v1;
	(xrf1) =	vunique.msk.u32 $0xffff, v4;
	_ =	sdelay $0xd  }
0x4d: {  	v6, _, _ =	vpop (xrf1)  }
0x4e: {  	vm5 =	vne.s32 v4, v5;
	vm4 =	veq.s32 v6, v2  }
0x4f: {  	vm6 =	vlt.u32 v4, $0x2800;
	vm4 =	vmand vm5, vm4  }
0x50: {  	vm4 =	vmand vm6, vm4  }
0x51: {  	v4 =	vnsel vm4, $0xFFFFFFFF, v4  }
.Ltmp3:
0x52: {  	v5 =	vnsel vm6, $0xFFFFFFFE, v4;
	(pc) =	sbr.rel @p1 .LBB2_3-.Ltmp3, $3  }
0x53: {  	_ =	sdelay $0x1  }
0x54: {  	s22 =	sadd.s32 $0xFFFFFFF0, s22;
	s26 =	sadd.s32 $0xFFFFFFF0, s26;
	(ifvalue) =	ssetifvalue $0xFFFFFFFF  }
0x55: {  	[tilespmem:s26], [sflag:$0x8] =	stream.indirect_vreg.gather [hbm4b:s1+s16], $0x1, v4, vm0, $0x4038;
	[tilespmem:s28+$0x0] =	vst v5  }
0x56: {  	s2 =	sshrl.u32 s25, $0x3  }
0x57: {  	s0 =	sadd.s32 $0x9D40, s0;
	s2 =	sadd.s32 s9, s2  }
0x58: {  	[tilespmem:s0], [sflag:$0x8] =	stream.linear.gather [hbm:s2], $0x1F40, $0x38;
	[tilespmem:$0x11A60] =	vst v63  }
.LBB2_5:
0x59: {  	p1 =	slt.u32 s24, $0x2  }
0x5a: {  	p2 =	sge.u32 @!p1 s24, s12  }
0x5b: {  	p1 =	por p1, p2  }
.Ltmp4:
0x5c: {  	_ = 	snop;
	(pc) =	sbr.rel @p1 .LBB2_9-.Ltmp4, $1  }
0x5d: {  	_ =	sdelay $0x3  }
0x5e: {  	s0 =	sadd.s32 $0xFFFFFFFE, s24  }
0x5f: {  	s2 =	smulhi.u32 $0xAAAAAAAB, s0;
	_ =	sdelay $0x1  }
0x60: {  	s2 =	sshrl.u32 s2, $0x1  }
0x61: {  	s2 =	smul.u32 $0x3, s2;
	_ =	sdelay $0x1  }
0x62: {  	s0 =	ssub.s32 s0, s2  }
0x63: {  	_ =	swait.ge [sflag:s8], $0x3E80;
	s0 =	smul.u32 $0x1F40, s0  }
0x64: {  	p1 =	sne.s32 s24, s11;
	[sflag:s8] =	ssyncset.done $0x0  }
0x65: {  	[sflag:s8] =	ssyncadd.s32 $0xFFFFC180;
	s2 =	sadd.s32 @!p1 $0x203F, s0  }
0x66: {  	[spmem:s14] =	stream.linear.scatter @!p1 [tilespmem:s2], [sflag:$0x1], $0x1, $0x38;
	[tilespmem:$0x11A60] =	vst v63  }
0x67: {  	s2 =	simm.s32 @!p1 $0x1  }
0x68: {  	_ =	swait.ge @!p1 [sflag:s2], $0x1  }
0x69: {  	s22 =	sshll.u32 s24, $0x4;
	[sflag:s2] =	ssyncset.done @!p1 $0x0  }
0x6a: {  	s25 =	sand.u32 $0x10, s22;
	[sflag:s2] =	ssyncadd.s32 @!p1 $0xFFFFFFFF  }
0x6b: {  	s2 =	sxor.u32 $0x10, s25;
	v4 =	vld [tilespmem:s25+$0x10]  }
0x6c: {  	v5 =	vld [tilespmem:s2+$0x60]  }
0x6d: {  	v3 =	vld [tilespmem:$0x80];
	_ =	sdelay $0x2  }
0x6e: {  	(v2sf) =	vpush v4, $0x0  }
0x6f: {  	(v2sf) =	vpush v5, $0x0  }
0x70: {  	(v2sf) =	vpush v3, $0x0;
	_ =	sdelay $0xc  }
0x71: {  	s22 =	spop (v2sf)  }
0x72: {  	s26 =	spop (v2sf)  }
0x73: {  	s28 =	spop (v2sf)  }
0x74: {  	p2 =	seq.s32 s22, s26;
	p3 =	seq.s32 s28, s22  }
0x75: {  	p3 =	por p2, p3  }
0x76: {  	s26 =	sand.u32 $0x1, s24;
	v4 =	vpsel p3, $0xFFFFFFFF, v4  }
0x77: {  	s29 =	smul.u32 $0x1F40, s26;
	[tilespmem:s25+$0x10] =	vst.msk $0x1, v4  }
0x78: {  	v4 =	vld [tilespmem:$0x30]  }
0x79: {  	v5 =	vld [tilespmem:s29+$0x9D40]  }
0x7a: {  	v6 =	vld [tilespmem:s25+$0x40];
	_ =	sdelay $0x3  }
0x7b: {  	vm4 =	vmmov vm1;
	v5 =	vadd.f32 v5, v4  }
0x7c: {  	vm5 =	vmmov vm2;
	vm4 =	vmmov @p2 vm2;
	s22 =	sshll.u32 s26, $0x4;
	v4 =	vadd.f32 v6, v4  }
0x7d: {  	s26 =	sor.u32 $0x11A40, s22;
	vm5 =	vmmov @p3 vm1;
	[tilespmem:s29+$0x9D40] =	vst.msk vm4, v5  }
0x7e: {  	[tilespmem:s26+$0x0] =	vst.msk vm5, v4  }
0x7f: {  	v4 =	vld [tilespmem:s29+$0x7DF0];
	_ =	sdelay $0x3  }
0x80: {  	v5 =	vimm.f32 $0.0e+00  }
0x81: {  	v4 =	vshift.insert v4, v5, s21  }
0x82: {  	s22 =	sor.u32 $0x40, s2  }
0x83: {  	[tilespmem:s22+$0x0] =	vst.msk $0x1, v4  }
0x84: {  	[tilespmem:s29+$0x7DFF] =	vst.msk $0x1, v5  }
0x85: {  	v4 =	vld [tilespmem:s0+$0x2030];
	_ =	sdelay $0x1  }
0x86: {  	s22 =	smulhi.u32 $0xAAAAAAAB, s20;
	s0 =	simm.s32 $0x1  }
0x87: {  	s0 =	simm.s32 @!p0 $0x0  }
0x88: {  	s22 =	sshrl.u32 s22, $0x1;
	s0 =	smul.u32 $0x7D00, s0  }
0x89: {  	s22 =	smul.u32 $0xFFFE8900, s22;
	v4 =	vshift.insert v4, v1, s21  }
0x8a: {  	s0 =	sshrl.u32 s0, $0x2  }
0x8b: {  	s22 =	sshra.s32 s22, $0x2;
	s30 =	sadd.s32 $0x9D40, s0;
	[tilespmem:s2+$0x10] =	vst.msk $0x1, v4  }
0x8c: {  	s22 =	sadd.s32 s22, s19;
	v6 =	vld [tilespmem:s30+$0x0]  }
0x8d: {  	v7 =	vld [tilespmem:s22+$0x0];
	_ =	sdelay $0x3  }
0x8e: {  	v5 =	vadd.f32 v6, v5  }
0x8f: {  	vm4 =	vne.s32 v7, $0xFFFFFFFF  }
0x90: {  	(xrf2) =	vadd.seg.scan.f32 vm4, v5;
	_ =	sdelay $0x3  }
0x91: {  	s31 =	sadd.s32 $0x5EC0, s0;
	v5 =	vperm.xlane v4, v1  }
0x92: {  	v6 =	vld [tilespmem:s31+$0x0]  }
0x93: {  	vm5 =	veq.s32 v7, v3;
	vm6 =	veq.s32 v7, v5  }
0x94: {  	vm7 =	vgt.u32 v7, $0xFFFFFFFD;
	vm6 =	vmor vm6, vm5  }
0x95: {  	vm6 =	vmor vm6, vm7  }
0x96: {  	v9 =	vld [tilespmem:$0xA0];
	v7 =	vsel vm6, $0xFFFFFFFF, v7  }
0x97: {  	v10 =	vld [tilespmem:$0x90];
	v6 =	vsel vm5, $0x0, v6;
	v8, _, _ =	vpop (xrf2)  }
0x98: {  	v6 =	vadd.f32 v8, v6  }
0x99: {  	s0 =	sadd.s32 $0xDBC0, s0  }
0x9a: {  	vm4 =	vmand vm4, vm3;
	[tilespmem:s0+$0x0] =	vst v6;
	(ifvalue) =	ssetifvalue $0xFFFFFFFF  }
0x9b: {  	vm6 =	veq.s32 v9, $0x1;
	[hbm4b:s1+s16] =	stream.indirect_vreg.scatter [tilespmem:s0], [sflag:$0x2], $0x1, v7, vm0, $0x4038;
	v7 =	vsel vm4, $0x0, v8;
	[tilespmem:$0x11A60] =	vst v63  }
0x9c: {  	s2 =	simm.s32 $0x0;
	s22 =	sadd.s32 $0x10, s22;
	vm4 =	vmor vm6, vm5;
	v6 =	vsel vm5, v8, v10;
	v7 =	vshift.insert v7, v0, s21  }
.LBB2_7:
0x9d: {  	v8 =	vld [tilespmem:s22+$0x0];
	s30 =	sadd.s32 $0x10, s30  }
0x9e: {  	s31 =	sadd.s32 $0x10, s31;
	v9 =	vld [tilespmem:s30+$0x0]  }
0x9f: {  	s2 =	sadd.s32 $0x10, s2;
	v10 =	vld [tilespmem:s31+$0x0]  }
0xa0: {  	p2 =	slt.u32 s2, $0x1F30;
	_ =	sdelay $0x2  }
0xa1: {  	v7 =	vadd.f32 v9, v7  }
0xa2: {  	vm5 =	vne.s32 v8, $0xFFFFFFFF  }
0xa3: {  	vm6 =	vmand vm5, vm3;
	(xrf2) =	vadd.seg.scan.f32 vm5, v7;
	_ =	sdelay $0x5  }
0xa4: {  	vm7 =	veq.s32 v8, v5;
	vm5 =	veq.s32 v8, v3  }
0xa5: {  	vm8 =	vgt.u32 v8, $0xFFFFFFFD;
	vm4 =	vmor vm4, vm5;
	vm7 =	vmor vm7, vm5  }
0xa6: {  	vm7 =	vmor vm7, vm8  }
0xa7: {  	v8 =	vsel vm7, $0xFFFFFFFF, v8  }
.Ltmp5:
0xa8: {  	v7 =	vsel vm5, $0x0, v10;
	v9, _, _ =	vpop (xrf2);
	(pc) =	sbr.rel @p2 .LBB2_7-.Ltmp5, $4  }
0xa9: {  	v6 =	vsel vm5, v9, v6;
	v10 =	vadd.f32 v9, v7;
	v7 =	vsel vm6, $0x0, v9  }
0xaa: {  	s0 =	sadd.s32 $0x10, s0;
	v7 =	vshift.insert v7, v0, s21  }
0xab: {  	s22 =	sadd.s32 $0x10, s22;
	[tilespmem:s0+$0x0] =	vst v10;
	(ifvalue) =	ssetifvalue $0xFFFFFFFF  }
0xac: {  	[hbm4b:s1+s16] =	stream.indirect_vreg.scatter [tilespmem:s0], [sflag:$0x2], $0x1, v8, vm0, $0x4038;
	[tilespmem:$0x11A60] =	vst v63  }
0xad: {  	v3 =	vld [tilespmem:s29+$0xFAF0];
	_ =	sdelay $0x4  }
0xae: {  	v3 =	vshift.insert v3, v0, s21  }
0xaf: {  	s0 =	simm.s32 $0x30  }
0xb0: {  	[tilespmem:s0+$0x0] =	vst.msk $0x1, v3  }
0xb1: {  	v3 =	vsel vm4, $0x1, v1;
	[tilespmem:$0x90] =	vst v6  }
0xb2: {  	s0 =	sadd.s32 @!p1 $0xFAFF, s29;
	[tilespmem:$0xA0] =	vst v3  }
0xb3: {  	[spmem:s15] =	stream.linear.scatter @!p1 [tilespmem:s0], [sflag:$0x1], $0x1, $0x38;
	[tilespmem:$0x11A60] =	vst v63  }
0xb4: {  	s0 =	simm.s32 @!p1 $0x1  }
0xb5: {  	v3 =	vmctz.xlane @!p1 vm4;
	_ =	swait.ge @!p1 [sflag:s0], $0x1  }
0xb6: {  	(v2sf) =	vpush @!p1 v4, $0x0  }
0xb7: {  	(v2sf) =	vpush @!p1 v3, $0x0;
	_ =	sdelay $0xd  }
0xb8: {  	s2 =	spop @!p1 (v2sf)  }
0xb9: {  	s22 =	spop @!p1 (v2sf)  }
0xba: {  	p2 =	sne.s32 @!p1 s28, s2;
	p3 =	slt.s32 @!p1 s22, $0xF  }
0xbb: {  	[sflag:s0] =	ssyncset.done @!p1 $0x0;
	p2 =	por p2, p1;
	p3 =	por !p3, p1  }
0xbc: {  	[sflag:s0] =	ssyncadd.s32 @!p1 $0xFFFFFFFF;
	v3 =	vimm.s32 @!p2 $0xFFFFFFFF;
	s22 =	simm.s32 @p3 $0xF  }
0xbd: {  	[tilespmem:$0x80] =	vst @!p2 v3;
	s2 =	sadd.s32 @!p1 $0x90, s22  }
0xbe: {  	[spmem:s3] =	stream.linear.scatter @!p1 [tilespmem:s2], [sflag:$0x1], $0x1, $0x38;
	[tilespmem:$0x11A60] =	vst v63  }
0xbf: {  	_ =	swait.ge @!p1 [sflag:s0], $0x1  }
0xc0: {  	[sflag:s0] =	ssyncset.done @!p1 $0x0  }
0xc1: {  	s2 =	simm.s32 @!p1 $0x80;
	[sflag:s0] =	ssyncadd.s32 @!p1 $0xFFFFFFFF  }
0xc2: {  	[spmem:s13] =	stream.linear.scatter @!p1 [tilespmem:s2], [sflag:$0x1], $0x1, $0x38;
	[tilespmem:$0x11A60] =	vst v63  }
0xc3: {  	_ =	swait.ge @!p1 [sflag:s0], $0x1  }
0xc4: {  	[sflag:s0] =	ssyncset.done @!p1 $0x0  }
0xc5: {  	[sflag:s0] =	ssyncadd.s32 @!p1 $0xFFFFFFFF;
	(ifvalue) =	ssetifvalue $0xFFFFFFFF;
	v3 =	vld [tilespmem:s25+$0x10];
	_ =	sdelay $0x3  }
.Ltmp6:
0xc6: {  	_ = 	snop;
	(pc) =	sbr.rel .LBB2_9-.Ltmp6, $3  }
0xc7: {  	_ =	sdelay $0x1  }
0xc8: {  	(ifvalue) =	ssetifvalue $0xFFFFFFFF  }
0xc9: {  	[hbm4b:s1+s16] =	stream.indirect_vreg.scatter [tilespmem:s26], [sflag:$0x9], $0x1, v3, vm0, $0x4038;
	[tilespmem:$0x11A60] =	vst v63  }
.LBB2_10:
0xca: {  	_ =	sfence.sel $0x180000  }
0xcb: {  	s0 =	simm.s32 $0x7;
	[bflag:$0x0] =	sbarrier.arrive $0xFFFF  }
0xcc: {  	s26 =	simm.s32 $0x8;
	[sflag:s0] =	ssyncpa.u1 $0x1  }
0xcd: {  	s28 =	simm.s32 $0x9;
	[sflag:s26] =	ssyncpa.u1 $0x1  }
0xce: {  	[sflag:s28] =	ssyncpa.u1 $0x1  }
0xcf: {  	_ =	sfence.stream.spmem  }
0xd0: {  	s29 =	simm.s32 $0x3;
	[bflag:$0x0] =	sbarrier.arrive $0xFFFF  }
0xd1: {  	s30 =	simm.s32 $0x4;
	[sflag:s29] =	ssyncpa.u1 $0x1  }
0xd2: {  	s31 =	simm.s32 $0x3C;
	s2 =	stileid.u32;
	[sflag:s30] =	ssyncpa.u1 $0x1  }
0xd3: {  	p0 =	sne.s32 s2, $0x0;
	[sflag:s31] =	ssyncpa.u1 $0x1  }
0xd4: {  	s0 =	simm.s32 @p0 $0x1;
	_ =	sfence @p0  }
0xd5: {  	[sflag:s0] =	ssyncpa.u1 @p0 $0x1;
	s0 =	simm.s32 @p0 $0x2  }
0xd6: {  	[sflag:s0] =	ssyncpa.u1 @p0 $0x1  }
0xd7: {  	_ =	strace @p0 $0x90000047  }
0xd8: {  	[bflag:$0x2] =	sbarrier.arrive @p0 $0xFFFF  }
0xd9: {  	_ =	shalt @p0  }
.LBB2_11:
0xda: {  	_ =	sfence.stream.spmem;
	s0 =	simm.s32 $0x5  }
0xdb: {  	s2 =	simm.s32 $0x80;
	s3 =	simm.s32 $0xC0;
	[sflag:s0] =	ssyncpa.u1 $0x0  }
0xdc: {  	[tilespmem:s3], [sflag:$0x5] =	stream.linear.gather [spmem:s2], $0x20, $0x38;
	[tilespmem:$0x11A60] =	vst v63  }
0xdd: {  	s2 =	simm.s32 $0x0;
	s3 =	simm.s32 $0xE0  }
0xde: {  	[tilespmem:s3], [sflag:$0x5] =	stream.linear.gather [spmem:s2], $0x20, $0x38;
	[tilespmem:$0x11A60] =	vst v63  }
.Ltmp7:
0xdf: {  	_ = 	snop;
	(pc) =	sbr.rel .LBB2_12-.Ltmp7, $4  }
0xe0: {  	_ =	swait.ge [sflag:s0], $0x40  }
0xe1: {  	[sflag:s0] =	ssyncset.done $0x0  }
0xe2: {  	s31 =	simm.s32 $0x6;
	[sflag:s0] =	ssyncadd.s32 $0xFFFFFFC0  }
0xe3: {  	s4 =	simm.s32 $0x0;
	[sflag:s31] =	ssyncpa.u1 $0x0  }
.LBB2_17:
0xe4: {  	p0 =	sgt.u32 s5, $0x27FF  }
0xe5: {  	s0 =	sshrl.u32 @!p0 s5, $0x3  }
0xe6: {  	s5 =	sand.u32 @!p0 $0x7, s5;
	s6 =	simm.s32 @!p0 $0xB0;
	s0 =	sadd.s32 @!p0 s1, s0  }
0xe7: {  	[tilespmem:s6], [sflag:$0x6] =	stream.linear.gather @!p0 [hbm4b:s0+s5], $0x1, $0x38;
	[tilespmem:$0x11A60] =	vst v63  }
0xe8: {  	s0 =	simm.s32 @!p0 $0x6  }
0xe9: {  	_ =	swait.ge @!p0 [sflag:s0], $0x1  }
0xea: {  	[sflag:s0] =	ssyncset.done @!p0 $0x0  }
0xeb: {  	[sflag:s0] =	ssyncadd.s32 @!p0 $0xFFFFFFFF  }
0xec: {  	v2 =	vmov @!p0 s4;
	v1 =	vld.msk @!p0 [tilespmem:$0xB0], $0x1;
	_ =	sdelay $0x3  }
0xed: {  	s0 =	simm.s32 @!p0 $0xE0  }
0xee: {  	[tilespmem:v2+s0+$0x0], v1 =	vst.idx.ret.add.f32.msk @!p0 $0x1, v1  }
0xef: {  	[tilespmem:s2+$0xC0] =	vst.msk $0x1, v0  }
0xf0: {  	v0 =	vld.msk [tilespmem:s4+$0xE0], $0x1;
	_ =	sdelay $0x4  }
0xf1: {  	[tilespmem:s2+$0xE0] =	vst.msk $0x1, v0;
	s2 =	sadd.s32 $0x1, s2  }
.LBB2_19:
0xf2: {  	s4 =	sadd.s32 $0x1, s4  }
0xf3: {  	p0 =	sne.s32 s4, $0x20  }
.Ltmp8:
0xf4: {  	_ = 	snop;
	(pc) =	sbr.rel @!p0 .LBB2_20-.Ltmp8, $1  }
0xf5: {  	_ =	sdelay $0x3  }
.LBB2_12:
0xf6: {  	v0 =	vld.msk [tilespmem:s4+$0xC0], $0x1;
	_ =	sdelay $0x4  }
0xf7: {  	(v2sf) =	vpush v0, $0x0;
	_ =	sdelay $0xe  }
0xf8: {  	s5 =	spop (v2sf)  }
0xf9: {  	p0 =	seq.s32 s5, $0xFFFFFFFF  }
.Ltmp9:
0xfa: {  	_ = 	snop;
	(pc) =	sbr.rel @p0 .LBB2_19-.Ltmp9, $1  }
0xfb: {  	_ =	sdelay $0x3  }
0xfc: {  	p0 =	slt.s32 s2, $0x1  }
.Ltmp10:
0xfd: {  	_ = 	snop;
	(pc) =	sbr.rel @p0 .LBB2_17-.Ltmp10, $1  }
0xfe: {  	_ =	sdelay $0x3  }
0xff: {  	s0 =	simm.s32 $0xC0;
	p0 =	por $0x0, $0x0  }
0x100: {  	v1 =	vld.msk @!p0 [tilespmem:s0+$0x0], $0x1;
	_ =	sdelay $0x4  }
0x101: {  	(v2sf) =	vpush @!p0 v1, $0x0;
	_ =	sdelay $0xd  }
0x102: {  	p2 =	sne.s32 s2, $0x1  }
.Ltmp11:
0x103: {  	s6 =	spop @!p0 (v2sf);
	(pc) =	sbr.rel @!p2 .LBB2_16-.Ltmp11, $4  }
0x104: {  	p1 =	seq.s32 @!p0 s5, s6  }
0x105: {  	s6 =	simm.s32 $0x0;
	p1 =	por !p1, p0  }
0x106: {  	s8 =	simm.s32 $0xFFFFFFFF;
	s6 =	simm.s32 @p1 $0xFFFFFFFF  }
0x107: {  	s7 =	simm.s32 $0x1;
	s6 =	smov.u32 @p0 s8  }
.LBB2_15:
0x108: {  	s8 =	smov.u32 s6;
	p0 =	sne.s32 s6, $0xFFFFFFFF  }
0x109: {  	s0 =	sadd.s32 $0x1, s0;
	s6 =	smov.u32 s7;
	s7 =	sadd.s32 $0x1, s7  }
0x10a: {  	p1 =	sne.s32 s2, s7;
	v1 =	vld.msk @!p0 [tilespmem:s0+$0x0], $0x1;
	_ =	sdelay $0x4  }
0x10b: {  	(v2sf) =	vpush @!p0 v1, $0x0;
	_ =	sdelay $0xe  }
.Ltmp12:
0x10c: {  	s9 =	spop @!p0 (v2sf);
	(pc) =	sbr.rel @p1 .LBB2_15-.Ltmp12, $4  }
0x10d: {  	p2 =	seq.s32 @!p0 s5, s9  }
0x10e: {  	p2 =	por !p2, p0  }
0x10f: {  	s6 =	simm.s32 @p2 $0xFFFFFFFF  }
0x110: {  	s6 =	smov.u32 @p0 s8  }
.LBB2_16:
0x111: {  	p0 =	sne.s32 s6, $0xFFFFFFFF  }
.Ltmp13:
0x112: {  	_ = 	snop;
	(pc) =	sbr.rel @!p0 .LBB2_17-.Ltmp13, $1  }
0x113: {  	_ =	sdelay $0x3  }
0x114: {  	v0 =	vld.msk [tilespmem:s4+$0xE0], $0x1;
	v1 =	vmov s6  }
.Ltmp14:
0x115: {  	_ = 	snop;
	(pc) =	sbr.rel .LBB2_19-.Ltmp14, $2  }
0x116: {  	_ =	sdelay $0x2  }
0x117: {  	[tilespmem:v1+s3+$0x0], v0 =	vst.idx.ret.add.f32.msk $0x1, v0  }
.LBB2_20:
0x118: {  	p0 =	slt.s32 s2, $0x1  }
.Ltmp15:
0x119: {  	_ = 	snop;
	(pc) =	sbr.rel @p0 .LBB2_24-.Ltmp15, $3  }
0x11a: {  	_ =	sdelay $0x1  }
0x11b: {  	s0 =	simm.s32 $0x6  }
0x11c: {  	s3 =	simm.s32 $0x0;
	[sflag:s0] =	ssyncpa.u1 $0x1  }
0x11d: {  	s0 =	simm.s32 $0xC0  }
0x11e: {  	v0 =	vld.msk [tilespmem:s0+$0x0], $0x1;
	_ =	sdelay $0x4  }
0x11f: {  	(v2sf) =	vpush v0, $0x0;
	_ =	sdelay $0xe  }
0x120: {  	s2 =	sadd.s32 $0xFFFFFFFF, s2;
	s4 =	spop (v2sf)  }
0x121: {  	p1 =	sne.s32 s2, $0x0;
	p0 =	sgt.u32 s4, $0x27FF  }
.Ltmp16:
0x122: {  	s5 =	sshrl.u32 @!p0 s4, $0x3;
	(pc) =	sbr.rel @!p1 .LBB2_23-.Ltmp16, $4  }
0x123: {  	s0 =	simm.s32 $0xE0;
	s4 =	sand.u32 @!p0 $0x7, s4;
	s5 =	sadd.s32 @!p0 s1, s5  }
0x124: {  	[hbm4b:s5+s4] =	stream.linear.scatter @!p0 [tilespmem:s0], [sflag:$0x5], $0x1, $0x38;
	[tilespmem:$0x11A60] =	vst v63  }
0x125: {  	s5 =	simm.s32 $0x0  }
0x126: {  	s4 =	simm.s32 $0xC1;
	s5 =	simm.s32 @!p0 $0x4  }
.LBB2_22:
0x127: {  	v0 =	vld.msk [tilespmem:s4+$0x0], $0x1;
	s2 =	sadd.s32 $0xFFFFFFFF, s2;
	s3 =	sadd.s32 s3, s5  }
0x128: {  	p0 =	sne.s32 s2, $0x0;
	_ =	sdelay $0x3  }
0x129: {  	(v2sf) =	vpush v0, $0x0;
	_ =	sdelay $0xe  }
.Ltmp17:
0x12a: {  	s6 =	spop (v2sf);
	(pc) =	sbr.rel @p0 .LBB2_22-.Ltmp17, $4  }
0x12b: {  	s5 =	simm.s32 $0x0;
	p1 =	sgt.u32 s6, $0x27FF  }
0x12c: {  	s0 =	sadd.s32 $0x1, s0;
	s5 =	simm.s32 @!p1 $0x4;
	s7 =	sshrl.u32 @!p1 s6, $0x3  }
0x12d: {  	s4 =	sadd.s32 $0x1, s4;
	s6 =	sand.u32 @!p1 $0x7, s6;
	s7 =	sadd.s32 @!p1 s1, s7  }
0x12e: {  	[hbm4b:s7+s6] =	stream.linear.scatter @!p1 [tilespmem:s0], [sflag:$0x5], $0x1, $0x38;
	[tilespmem:$0x11A60] =	vst v63  }
.LBB2_23:
0x12f: {  	s0 =	sadd.s32 s3, s5  }
0x130: {  	s3 =	sshrl.u32 s0, $0x2  }
.LBB2_24:
0x131: {  	s0 =	simm.s32 $0x5  }
0x132: {  	_ =	swait.ge [sflag:s0], s3  }
0x133: {  	s1 =	ssub.s32 $0x0, s3;
	[sflag:s0] =	ssyncset.done $0x0  }
0x134: {  	[sflag:s0] =	ssyncadd.s32 s1  }
0x135: {  	[sflag:s0] =	ssyncpa.u1 $0x1  }
0x136: {  	s29 =	simm.s32 $0x1;
	_ =	sfence  }
0x137: {  	s30 =	simm.s32 $0x2;
	[sflag:s29] =	ssyncpa.u1 $0x1  }
0x138: {  	[sflag:s30] =	ssyncpa.u1 $0x1  }
0x139: {  	_ =	strace $0x90000047  }
0x13a: {  	[bflag:$0x2] =	sbarrier.arrive $0xFFFF  }
0x13b: {  	s31 =	rddreg [dreg:$0x1]  }
0x13c: {  	s0 =	sadd.s32 $0x100000, s31  }
0x13d: {  	[sflag:s0] =	ssyncadd.tile.s32 $0x1;
	_ =	shalt  }
.Lfunc_end2:
_tile_overlayer_lowered:
.L_overlay_start_2:
0x13e: {  	(tag) =	ssettag $0x2  }
0x13f: {  	s0 =	rddreg [dreg:$0x0];
	s2 =	stileid.u32  }
0x140: {  	s1 =	rddreg [dreg:$0x1];
	p0 =	sne.s32 s2, $0x0  }
0x141: {  	s3 =	rddreg [dreg:$0x2];
	[bflag:$0x3] =	sbarrier.arrive $0xFFFF;
	s2 =	simm.s32 @!p0 $0x1C01  }
0x142: {  	[timem:s3], [sflag:s2] =	dma.local @!p0 [hbm:s0], s1  }
0x143: {  	s0 =	simm.s32 @!p0 $0x1  }
0x144: {  	_ =	swait.ge @!p0 [sflag:s0], s1  }
0x145: {  	s1 =	ssub.s32 @!p0 $0x0, s1;
	[sflag:s0] =	ssyncset.done @!p0 $0x0  }
0x146: {  	[sflag:s0] =	ssyncadd.s32 @!p0 s1  }
0x147: {  	[bflag:$0x3] =	sbarrier.arrive $0xFFFF  }
0x148: {  	_ =	shalt  }

</sc_bundles>
